<compile_context>
chip_gen: v7x
topology: tpu7x:2x2x1
jax: 0.10.2.dev20260603
libtpu: 0.0.44.dev20260713+nightly
codegen_flags: <defaults>
</compile_context>

<pallas_src>
import functools

import jax
import jax.numpy as jnp
from jax.experimental import pallas as pl
from jax.experimental.pallas import tpu as pltpu


_LANES = 128
_NC = 16
_NQ = 4


def _fused_gnn_kernel(W0_ref, W1_ref, W2_ref, W3_ref, x_ref, mask_ref,
                      zt0_ref, b0_ref, zt1_ref, b1_ref, zt2_ref, b2_ref,
                      ztl_ref, bl_ref, out_ref, wbf_ref, z0_ref, u0_ref,
                      nf: int, d_out: int):
    b_id = pl.program_id(0)
    c = pl.program_id(1)
    n = wbf_ref.shape[0]
    nj = wbf_ref.shape[1]
    rc = n // _NC

    def make_z(cur, zt):
        zwide = jnp.dot(cur, zt, preferred_element_type=jnp.float32)
        return zwide.reshape(nj, _LANES).astype(jnp.bfloat16)

    def act(u, b_row, mask):
        v = u + b_row
        lane = jax.lax.broadcasted_iota(jnp.int32, v.shape, 1)
        v = jnp.where(lane < nf, jnp.maximum(v, 0.0), v)
        return v * mask

    def big_dot_to_u0(z):
        for rb in range(_NC):
            u0_ref[pl.ds(rb * rc, rc)] = jnp.dot(
                wbf_ref[pl.ds(rb * rc, rc)], z,
                preferred_element_type=jnp.float32)

    @pl.when(c == 0)
    def _():
        z0_ref[...] = make_z(x_ref[b_id], zt0_ref[...])

    for k, wq in enumerate((W0_ref, W1_ref, W2_ref, W3_ref)):
        wblk = wq[0]
        row0 = (c * _NQ + k) * rc
        wbf_ref[pl.ds(row0, rc)] = wblk
        u0_ref[pl.ds(row0, rc)] = jnp.dot(wblk, z0_ref[...],
                                          preferred_element_type=jnp.float32)

    @pl.when(c == _NC // _NQ - 1)
    def _():
        mask = mask_ref[b_id]
        cur = act(u0_ref[...], b0_ref[...], mask)
        for zt_ref, br_ref in ((zt1_ref, b1_ref), (zt2_ref, b2_ref)):
            z = make_z(cur, zt_ref[...])
            big_dot_to_u0(z)
            cur = act(u0_ref[...], br_ref[...], mask)
        zl = make_z(cur, ztl_ref[...])
        big_dot_to_u0(zl)
        out_ref[0] = ((u0_ref[...] + bl_ref[...]) * mask)[:, :d_out]


def _zproj(w1, w2, j, pad_rows):
    w = jnp.concatenate([w1, w2], axis=0)
    return _zpad(w, j, pad_rows)


def _zpad(w, j, pad_rows):
    k = w.shape[0]
    d = w.shape[1] // j
    zt = w.reshape(k, j, d).transpose(2, 1, 0)
    zt = jnp.pad(zt, ((0, _LANES - d if pad_rows else 0),
                      (0, 0), (0, _LANES - k)))
    return zt.reshape(zt.shape[0], j * _LANES)


def kernel(W, x, mask, N_batch, fc1_w0, fc1_b0, fc2_w0, fc2_b0,
           fc1_w1, fc1_b1, fc2_w1, fc2_b1, fc1_w2, fc1_b2, fc2_w2, fc2_b2,
           fcl_w, fcl_b):
    bs, N, _, J = W.shape
    nf = fc1_b0.shape[0]
    d_out = fcl_w.shape[0]
    rc = N // _NC

    Wr = W.reshape(bs, N, N * J).astype(jnp.bfloat16)

    zt0 = _zproj(fc1_w0, fc2_w0, J, pad_rows=False)
    zt1 = _zproj(fc1_w1, fc2_w1, J, pad_rows=True)
    zt2 = _zproj(fc1_w2, fc2_w2, J, pad_rows=True)

    def bpad(b1_, b2_):
        b = jnp.concatenate([b1_, b2_])
        return jnp.pad(b, (0, _LANES - b.shape[0])).reshape(1, _LANES)

    b0 = bpad(fc1_b0, fc2_b0)
    b1 = bpad(fc1_b1, fc2_b1)
    b2 = bpad(fc1_b2, fc2_b2)
    ztl = _zpad(fcl_w, J, pad_rows=True)
    bl = jnp.pad(fcl_b, (0, _LANES - d_out)).reshape(1, _LANES)

    def full(a):
        shape = a.shape
        return pl.BlockSpec(shape, lambda b, c: (0,) * len(shape))

    out = pl.pallas_call(
        functools.partial(_fused_gnn_kernel, nf=nf, d_out=d_out),
        grid=(bs, _NC // _NQ),
        in_specs=[
            pl.BlockSpec((1, rc, N * J),
                         (lambda k: (lambda b, c: (b, c * _NQ + k, 0)))(k))
            for k in range(_NQ)
        ] + [
            pl.BlockSpec((bs, N, x.shape[-1]), lambda b, c: (0, 0, 0)),
            pl.BlockSpec((bs, N, 1), lambda b, c: (0, 0, 0)),
            full(zt0), full(b0), full(zt1), full(b1), full(zt2), full(b2),
            full(ztl), full(bl),
        ],
        out_specs=pl.BlockSpec((1, N, d_out), lambda b, c: (b, 0, 0)),
        out_shape=jax.ShapeDtypeStruct((bs, N, d_out), jnp.float32),
        scratch_shapes=[
            pltpu.VMEM((N, N * J), jnp.bfloat16),
            pltpu.VMEM((N * J, _LANES), jnp.bfloat16),
            pltpu.VMEM((N, _LANES), jnp.float32),
        ],
        compiler_params=pltpu.CompilerParams(
            dimension_semantics=(pltpu.ARBITRARY, pltpu.ARBITRARY),
            vmem_limit_bytes=128 * 1024 * 1024,
        ),
    )(Wr, Wr, Wr, Wr, x, mask, zt0, b0, zt1, b1, zt2, b2, ztl, bl)
    return out

# --- scband reference (transcript-rebuilt; emitter-appended) ---
"""Pipeline reference for scband-gnn-simple-26113401160405 (READ-ONLY COPY).

The authoritative reference and input builder live on the scoring server;
editing this copy changes nothing except your own understanding.
"""

import jax, jax.numpy as jnp
import numpy as np

def gmul(W, x):
    # W: [bs, N, N, J], x: [bs, N, d] -> concat_j(W_j @ x): [bs, N, J*d]
    bs, N, _, J = W.shape
    d = x.shape[-1]
    y = jnp.einsum('bnmj,bmd->bnjd', W, x)
    return y.reshape(bs, N, J * d)

def layer_simple(W, x, mask, w1, b1, w2, b2):
    y = gmul(W, x)
    x1 = jax.nn.relu(y @ w1.T + b1)
    x2 = y @ w2.T + b2
    out = jnp.concatenate([x1, x2], axis=-1)
    return out * mask

def layer_last(W, x, mask, w, b):
    y = gmul(W, x)
    return (y @ w.T + b) * mask

def setup_inputs(seed: int = 0):
    key = jax.random.key(seed)
    ks = jax.random.split(key, 16)
    bs, N, J2, d_in, nf, d_out = 2, 2048, 3, 8, 16, 2
    inp = {}
    inp['W'] = jax.random.uniform(ks[0], (bs, N, N, J2), dtype=jnp.float32)
    inp['x'] = jax.random.normal(ks[1], (bs, N, d_in), dtype=jnp.float32)
    inp['mask'] = jnp.ones((bs, N, 1), dtype=jnp.float32)
    inp['N_batch'] = 2048
    def lin(k, o, i):
        return jax.random.normal(k, (o, i), dtype=jnp.float32) / np.sqrt(i)
    inp['fc1_w0'] = lin(ks[2], nf, J2 * d_in); inp['fc1_b0'] = jnp.zeros((nf,), dtype=jnp.float32)
    inp['fc2_w0'] = lin(ks[3], nf, J2 * d_in); inp['fc2_b0'] = jnp.zeros((nf,), dtype=jnp.float32)
    hid = 2 * nf
    inp['fc1_w1'] = lin(ks[4], nf, J2 * hid); inp['fc1_b1'] = jnp.zeros((nf,), dtype=jnp.float32)
    inp['fc2_w1'] = lin(ks[5], nf, J2 * hid); inp['fc2_b1'] = jnp.zeros((nf,), dtype=jnp.float32)
    inp['fc1_w2'] = lin(ks[6], nf, J2 * hid); inp['fc1_b2'] = jnp.zeros((nf,), dtype=jnp.float32)
    inp['fc2_w2'] = lin(ks[7], nf, J2 * hid); inp['fc2_b2'] = jnp.zeros((nf,), dtype=jnp.float32)
    inp['fcl_w'] = lin(ks[8], d_out, J2 * hid); inp['fcl_b'] = jnp.zeros((d_out,), dtype=jnp.float32)
    return inp

def reference(W, x, mask, N_batch, fc1_w0, fc1_b0, fc2_w0, fc2_b0, fc1_w1, fc1_b1, fc2_w1, fc2_b1, fc1_w2, fc1_b2, fc2_w2, fc2_b2, fcl_w, fcl_b):
    cur = layer_simple(W, x, mask, fc1_w0, fc1_b0, fc2_w0, fc2_b0)
    cur = layer_simple(W, cur, mask, fc1_w1, fc1_b1, fc2_w1, fc2_b1)
    cur = layer_simple(W, cur, mask, fc1_w2, fc1_b2, fc2_w2, fc2_b2)
    out = layer_last(W, cur, mask, fcl_w, fcl_b)
    return out

if __name__ == "__main__":
    import jax
    _d = setup_inputs()
    print(jax.jit(kernel)(*tuple(_d.values())))

</pallas_src>

<mosaic_0001>
module attributes {stable_mosaic.version = 14 : i64} {
  func.func @_fused_gnn_kernel(%arg0: i32, %arg1: i32, %arg2: memref<1x128x6144xbf16, #tpu.memory_space<vmem>>, %arg3: memref<1x128x6144xbf16, #tpu.memory_space<vmem>>, %arg4: memref<1x128x6144xbf16, #tpu.memory_space<vmem>>, %arg5: memref<1x128x6144xbf16, #tpu.memory_space<vmem>>, %arg6: memref<2x2048x8xf32, #tpu.memory_space<vmem>>, %arg7: memref<2x2048x1xf32, #tpu.memory_space<vmem>>, %arg8: memref<8x384xf32, #tpu.memory_space<vmem>>, %arg9: memref<1x128xf32, #tpu.memory_space<vmem>>, %arg10: memref<128x384xf32, #tpu.memory_space<vmem>>, %arg11: memref<1x128xf32, #tpu.memory_space<vmem>>, %arg12: memref<128x384xf32, #tpu.memory_space<vmem>>, %arg13: memref<1x128xf32, #tpu.memory_space<vmem>>, %arg14: memref<128x384xf32, #tpu.memory_space<vmem>>, %arg15: memref<1x128xf32, #tpu.memory_space<vmem>>, %arg16: memref<1x2048x2xf32, #tpu.memory_space<vmem>>, %arg17: memref<2048x6144xbf16, #tpu.memory_space<vmem>>, %arg18: memref<6144x128xbf16, #tpu.memory_space<vmem>>, %arg19: memref<2048x128xf32, #tpu.memory_space<vmem>>) attributes {dimension_semantics = [#tpu.dimension_semantics<arbitrary>, #tpu.dimension_semantics<arbitrary>], iteration_bounds = array<i64: 2, 4>, scalar_prefetch = 0 : i64, scratch_operands = 3 : i64, tpu.core_type = #tpu.core_type<tc>, window_params = [{transform_indices = @transform_0, window_bounds = array<i64: 1, 128, 6144>}, {transform_indices = @transform_1, window_bounds = array<i64: 1, 128, 6144>}, {transform_indices = @transform_2, window_bounds = array<i64: 1, 128, 6144>}, {transform_indices = @transform_3, window_bounds = array<i64: 1, 128, 6144>}, {pipeline_mode = #tpu.pipeline_mode<synchronous>, transform_indices = @transform_4, window_bounds = array<i64: 2, 2048, 8>}, {pipeline_mode = #tpu.pipeline_mode<synchronous>, transform_indices = @transform_5, window_bounds = array<i64: 2, 2048, 1>}, {pipeline_mode = #tpu.pipeline_mode<synchronous>, transform_indices = @transform_6, window_bounds = array<i64: 8, 384>}, {pipeline_mode = #tpu.pipeline_mode<synchronous>, transform_indices = @transform_7, window_bounds = array<i64: 1, 128>}, {pipeline_mode = #tpu.pipeline_mode<synchronous>, transform_indices = @transform_8, window_bounds = array<i64: 128, 384>}, {pipeline_mode = #tpu.pipeline_mode<synchronous>, transform_indices = @transform_9, window_bounds = array<i64: 1, 128>}, {pipeline_mode = #tpu.pipeline_mode<synchronous>, transform_indices = @transform_10, window_bounds = array<i64: 128, 384>}, {pipeline_mode = #tpu.pipeline_mode<synchronous>, transform_indices = @transform_11, window_bounds = array<i64: 1, 128>}, {pipeline_mode = #tpu.pipeline_mode<synchronous>, transform_indices = @transform_12, window_bounds = array<i64: 128, 384>}, {pipeline_mode = #tpu.pipeline_mode<synchronous>, transform_indices = @transform_13, window_bounds = array<i64: 1, 128>}, {transform_indices = @transform_14, window_bounds = array<i64: 1, 2048, 2>}]} {
    %eq3A = arith.constant 0 : i32
    %eq3A_0 = arith.cmpi eq, %arg1, %eq3A : i32
    %convert_element_type3A = arith.extui %eq3A_0 : i1 to i32
    %cond3A = arith.constant 0 : i32
    %cond3A_1 = arith.cmpi ne, %convert_element_type3A, %cond3A : i32
    scf.if %cond3A_1 {
      %get3A_90 = arith.index_cast %arg0 : i32 to index
      %get3A_91 = arith.constant 0 : index
      %get3A_92 = arith.constant 0 : index
      %get3A_93 = vector.load %arg6[%get3A_90, %get3A_91, %get3A_92] : memref<2x2048x8xf32, #tpu.memory_space<vmem>>, vector<1x2048x8xf32>
      %get3A_94 = vector.shape_cast %get3A_93 : vector<1x2048x8xf32> to vector<2048x8xf32>
      %get3A_95 = arith.constant 0 : index
      %get3A_96 = arith.constant 0 : index
      %get3A_97 = vector.load %arg8[%get3A_95, %get3A_96] : memref<8x384xf32, #tpu.memory_space<vmem>>, vector<8x384xf32>
      %dot_general3A_98 = arith.constant dense<0.000000e+00> : vector<2048x384xf32>
      %dot_general3A_99 = tpu.matmul %get3A_94, %get3A_97, %dot_general3A_98 {dimension_numbers = #tpu.dot_dimension_numbers<[1], [0], [0], [1], [0, 0, 1, 1], [], []>, transpose_lhs_hint = false} : vector<2048x8xf32>, vector<8x384xf32>, vector<2048x384xf32> -> vector<2048x384xf32>
      %reshape3A = vector.shape_cast %dot_general3A_99 : vector<2048x384xf32> to vector<6144x128xf32>
      %convert_element_type3A_100 = arith.truncf %reshape3A : vector<6144x128xf32> to vector<6144x128xbf16>
      %swap3A_101 = arith.constant 0 : index
      %swap3A_102 = arith.constant 0 : index
      %swap3A_103 = vector.load %arg18[%swap3A_101, %swap3A_102] : memref<6144x128xbf16, #tpu.memory_space<vmem>>, vector<6144x128xbf16>
      tpu.vector_store %arg18[%swap3A_101, %swap3A_102], %convert_element_type3A_100 {strides = array<i32>} : memref<6144x128xbf16, #tpu.memory_space<vmem>>, vector<6144x128xbf16>,
    } else {
    }
    %get3A = arith.constant 0 : index
    %get3A_2 = arith.constant 0 : index
    %get3A_3 = arith.constant 0 : index
    %get3A_4 = vector.load %arg2[%get3A, %get3A_2, %get3A_3] : memref<1x128x6144xbf16, #tpu.memory_space<vmem>>, vector<1x128x6144xbf16>
    %get3A_5 = vector.shape_cast %get3A_4 : vector<1x128x6144xbf16> to vector<128x6144xbf16>
    %mul3A = arith.constant 4 : i32
    %mul3A_6 = arith.muli %arg1, %mul3A : i32
    %add3A = arith.constant 0 : i32
    %add3A_7 = arith.addi %mul3A_6, %add3A : i32
    %mul3A_8 = arith.constant 128 : i32
    %mul3A_9 = arith.muli %add3A_7, %mul3A_8 : i32
    %swap3A = arith.index_cast %mul3A_9 : i32 to index
    %swap3A_10 = arith.constant 0 : index
    %swap3A_11 = vector.load %arg17[%swap3A, %swap3A_10] : memref<2048x6144xbf16, #tpu.memory_space<vmem>>, vector<128x6144xbf16>
    tpu.vector_store %arg17[%swap3A, %swap3A_10], %get3A_5 {strides = array<i32>} : memref<2048x6144xbf16, #tpu.memory_space<vmem>>, vector<128x6144xbf16>,
    %get3A_12 = arith.constant 0 : index
    %get3A_13 = arith.constant 0 : index
    %get3A_14 = vector.load %arg18[%get3A_12, %get3A_13] : memref<6144x128xbf16, #tpu.memory_space<vmem>>, vector<6144x128xbf16>
    %dot_general3A = arith.constant dense<0.000000e+00> : vector<128x128xf32>
    %dot_general3A_15 = tpu.matmul %get3A_5, %get3A_14, %dot_general3A {dimension_numbers = #tpu.dot_dimension_numbers<[1], [0], [0], [1], [0, 0, 1, 1], [], []>, transpose_lhs_hint = false} : vector<128x6144xbf16>, vector<6144x128xbf16>, vector<128x128xf32> -> vector<128x128xf32>
    %swap3A_16 = arith.index_cast %mul3A_9 : i32 to index
    %swap3A_17 = arith.constant 0 : index
    %swap3A_18 = vector.load %arg19[%swap3A_16, %swap3A_17] : memref<2048x128xf32, #tpu.memory_space<vmem>>, vector<128x128xf32>
    tpu.vector_store %arg19[%swap3A_16, %swap3A_17], %dot_general3A_15 {strides = array<i32>} : memref<2048x128xf32, #tpu.memory_space<vmem>>, vector<128x128xf32>,
    %get3A_19 = arith.constant 0 : index
    %get3A_20 = arith.constant 0 : index
    %get3A_21 = arith.constant 0 : index
    %get3A_22 = vector.load %arg3[%get3A_19, %get3A_20, %get3A_21] : memref<1x128x6144xbf16, #tpu.memory_space<vmem>>, vector<1x128x6144xbf16>
    %get3A_23 = vector.shape_cast %get3A_22 : vector<1x128x6144xbf16> to vector<128x6144xbf16>
    %mul3A_24 = arith.constant 4 : i32
    %mul3A_25 = arith.muli %arg1, %mul3A_24 : i32
    %add3A_26 = arith.constant 1 : i32
    %add3A_27 = arith.addi %mul3A_25, %add3A_26 : i32
    %mul3A_28 = arith.constant 128 : i32
    %mul3A_29 = arith.muli %add3A_27, %mul3A_28 : i32
    %swap3A_30 = arith.index_cast %mul3A_29 : i32 to index
    %swap3A_31 = arith.constant 0 : index
    %swap3A_32 = vector.load %arg17[%swap3A_30, %swap3A_31] : memref<2048x6144xbf16, #tpu.memory_space<vmem>>, vector<128x6144xbf16>
    tpu.vector_store %arg17[%swap3A_30, %swap3A_31], %get3A_23 {strides = array<i32>} : memref<2048x6144xbf16, #tpu.memory_space<vmem>>, vector<128x6144xbf16>,
    %get3A_33 = arith.constant 0 : index
    %get3A_34 = arith.constant 0 : index
    %get3A_35 = vector.load %arg18[%get3A_33, %get3A_34] : memref<6144x128xbf16, #tpu.memory_space<vmem>>, vector<6144x128xbf16>
    %dot_general3A_36 = arith.constant dense<0.000000e+00> : vector<128x128xf32>
    %dot_general3A_37 = tpu.matmul %get3A_23, %get3A_35, %dot_general3A_36 {dimension_numbers = #tpu.dot_dimension_numbers<[1], [0], [0], [1], [0, 0, 1, 1], [], []>, transpose_lhs_hint = false} : vector<128x6144xbf16>, vector<6144x128xbf16>, vector<128x128xf32> -> vector<128x128xf32>
    %swap3A_38 = arith.index_cast %mul3A_29 : i32 to index
    %swap3A_39 = arith.constant 0 : index
    %swap3A_40 = vector.load %arg19[%swap3A_38, %swap3A_39] : memref<2048x128xf32, #tpu.memory_space<vmem>>, vector<128x128xf32>
    tpu.vector_store %arg19[%swap3A_38, %swap3A_39], %dot_general3A_37 {strides = array<i32>} : memref<2048x128xf32, #tpu.memory_space<vmem>>, vector<128x128xf32>,
    %get3A_41 = arith.constant 0 : index
    %get3A_42 = arith.constant 0 : index
    %get3A_43 = arith.constant 0 : index
    %get3A_44 = vector.load %arg4[%get3A_41, %get3A_42, %get3A_43] : memref<1x128x6144xbf16, #tpu.memory_space<vmem>>, vector<1x128x6144xbf16>
    %get3A_45 = vector.shape_cast %get3A_44 : vector<1x128x6144xbf16> to vector<128x6144xbf16>
    %mul3A_46 = arith.constant 4 : i32
    %mul3A_47 = arith.muli %arg1, %mul3A_46 : i32
    %add3A_48 = arith.constant 2 : i32
    %add3A_49 = arith.addi %mul3A_47, %add3A_48 : i32
    %mul3A_50 = arith.constant 128 : i32
    %mul3A_51 = arith.muli %add3A_49, %mul3A_50 : i32
    %swap3A_52 = arith.index_cast %mul3A_51 : i32 to index
    %swap3A_53 = arith.constant 0 : index
    %swap3A_54 = vector.load %arg17[%swap3A_52, %swap3A_53] : memref<2048x6144xbf16, #tpu.memory_space<vmem>>, vector<128x6144xbf16>
    tpu.vector_store %arg17[%swap3A_52, %swap3A_53], %get3A_45 {strides = array<i32>} : memref<2048x6144xbf16, #tpu.memory_space<vmem>>, vector<128x6144xbf16>,
    %get3A_55 = arith.constant 0 : index
    %get3A_56 = arith.constant 0 : index
    %get3A_57 = vector.load %arg18[%get3A_55, %get3A_56] : memref<6144x128xbf16, #tpu.memory_space<vmem>>, vector<6144x128xbf16>
    %dot_general3A_58 = arith.constant dense<0.000000e+00> : vector<128x128xf32>
    %dot_general3A_59 = tpu.matmul %get3A_45, %get3A_57, %dot_general3A_58 {dimension_numbers = #tpu.dot_dimension_numbers<[1], [0], [0], [1], [0, 0, 1, 1], [], []>, transpose_lhs_hint = false} : vector<128x6144xbf16>, vector<6144x128xbf16>, vector<128x128xf32> -> vector<128x128xf32>
    %swap3A_60 = arith.index_cast %mul3A_51 : i32 to index
    %swap3A_61 = arith.constant 0 : index
    %swap3A_62 = vector.load %arg19[%swap3A_60, %swap3A_61] : memref<2048x128xf32, #tpu.memory_space<vmem>>, vector<128x128xf32>
    tpu.vector_store %arg19[%swap3A_60, %swap3A_61], %dot_general3A_59 {strides = array<i32>} : memref<2048x128xf32, #tpu.memory_space<vmem>>, vector<128x128xf32>,
    %get3A_63 = arith.constant 0 : index
    %get3A_64 = arith.constant 0 : index
    %get3A_65 = arith.constant 0 : index
    %get3A_66 = vector.load %arg5[%get3A_63, %get3A_64, %get3A_65] : memref<1x128x6144xbf16, #tpu.memory_space<vmem>>, vector<1x128x6144xbf16>
    %get3A_67 = vector.shape_cast %get3A_66 : vector<1x128x6144xbf16> to vector<128x6144xbf16>
    %mul3A_68 = arith.constant 4 : i32
    %mul3A_69 = arith.muli %arg1, %mul3A_68 : i32
    %add3A_70 = arith.constant 3 : i32
    %add3A_71 = arith.addi %mul3A_69, %add3A_70 : i32
    %mul3A_72 = arith.constant 128 : i32
    %mul3A_73 = arith.muli %add3A_71, %mul3A_72 : i32
    %swap3A_74 = arith.index_cast %mul3A_73 : i32 to index
    %swap3A_75 = arith.constant 0 : index
    %swap3A_76 = vector.load %arg17[%swap3A_74, %swap3A_75] : memref<2048x6144xbf16, #tpu.memory_space<vmem>>, vector<128x6144xbf16>
    tpu.vector_store %arg17[%swap3A_74, %swap3A_75], %get3A_67 {strides = array<i32>} : memref<2048x6144xbf16, #tpu.memory_space<vmem>>, vector<128x6144xbf16>,
    %get3A_77 = arith.constant 0 : index
    %get3A_78 = arith.constant 0 : index
    %get3A_79 = vector.load %arg18[%get3A_77, %get3A_78] : memref<6144x128xbf16, #tpu.memory_space<vmem>>, vector<6144x128xbf16>
    %dot_general3A_80 = arith.constant dense<0.000000e+00> : vector<128x128xf32>
    %dot_general3A_81 = tpu.matmul %get3A_67, %get3A_79, %dot_general3A_80 {dimension_numbers = #tpu.dot_dimension_numbers<[1], [0], [0], [1], [0, 0, 1, 1], [], []>, transpose_lhs_hint = false} : vector<128x6144xbf16>, vector<6144x128xbf16>, vector<128x128xf32> -> vector<128x128xf32>
    %swap3A_82 = arith.index_cast %mul3A_73 : i32 to index
    %swap3A_83 = arith.constant 0 : index
    %swap3A_84 = vector.load %arg19[%swap3A_82, %swap3A_83] : memref<2048x128xf32, #tpu.memory_space<vmem>>, vector<128x128xf32>
    tpu.vector_store %arg19[%swap3A_82, %swap3A_83], %dot_general3A_81 {strides = array<i32>} : memref<2048x128xf32, #tpu.memory_space<vmem>>, vector<128x128xf32>,
    %eq3A_85 = arith.constant 3 : i32
    %eq3A_86 = arith.cmpi eq, %arg1, %eq3A_85 : i32
    %convert_element_type3A_87 = arith.extui %eq3A_86 : i1 to i32
    %cond3A_88 = arith.constant 0 : i32
    %cond3A_89 = arith.cmpi ne, %convert_element_type3A_87, %cond3A_88 : i32
    scf.if %cond3A_89 {
      %get3A_90 = arith.index_cast %arg0 : i32 to index
      %get3A_91 = arith.constant 0 : index
      %get3A_92 = arith.constant 0 : index
      %get3A_93 = vector.load %arg7[%get3A_90, %get3A_91, %get3A_92] : memref<2x2048x1xf32, #tpu.memory_space<vmem>>, vector<1x2048x1xf32>
      %get3A_94 = vector.shape_cast %get3A_93 : vector<1x2048x1xf32> to vector<2048x1xf32>
      %get3A_95 = arith.constant 0 : index
      %get3A_96 = arith.constant 0 : index
      %get3A_97 = vector.load %arg19[%get3A_95, %get3A_96] : memref<2048x128xf32, #tpu.memory_space<vmem>>, vector<2048x128xf32>
      %get3A_98 = arith.constant 0 : index
      %get3A_99 = arith.constant 0 : index
      %get3A_100 = vector.load %arg9[%get3A_98, %get3A_99] : memref<1x128xf32, #tpu.memory_space<vmem>>, vector<1x128xf32>
      %add3A_101 = vector.broadcast %get3A_100 : vector<1x128xf32> to vector<2048x128xf32>
      %add3A_102 = arith.addf %get3A_97, %add3A_101 : vector<2048x128xf32>
      %iota3A = tpu.iota {dimensions = array<i32: 1>} : vector<2048x128xi32>
      %lt3A = arith.constant 16 : i32
      %lt3A_103 = vector.broadcast %lt3A : i32 to vector<2048x128xi32>
      %lt3A_104 = arith.cmpi slt, %iota3A, %lt3A_103 : vector<2048x128xi32>
      %max3A = arith.constant 0.000000e+00 : f32
      %max3A_105 = vector.broadcast %max3A : f32 to vector<2048x128xf32>
      %max3A_106 = arith.maximumf %add3A_102, %max3A_105 : vector<2048x128xf32>
      %select_n3A = arith.select %lt3A_104, %max3A_106, %add3A_102 : vector<2048x128xi1>, vector<2048x128xf32>
      %mul3A_107 = vector.broadcast %get3A_94 : vector<2048x1xf32> to vector<2048x128xf32>
      %mul3A_108 = arith.mulf %select_n3A, %mul3A_107 : vector<2048x128xf32>
      %get3A_109 = arith.constant 0 : index
      %get3A_110 = arith.constant 0 : index
      %get3A_111 = vector.load %arg10[%get3A_109, %get3A_110] : memref<128x384xf32, #tpu.memory_space<vmem>>, vector<128x384xf32>
      %dot_general3A_112 = arith.constant dense<0.000000e+00> : vector<2048x384xf32>
      %dot_general3A_113 = tpu.matmul %mul3A_108, %get3A_111, %dot_general3A_112 {dimension_numbers = #tpu.dot_dimension_numbers<[1], [0], [0], [1], [0, 0, 1, 1], [], []>, transpose_lhs_hint = false} : vector<2048x128xf32>, vector<128x384xf32>, vector<2048x384xf32> -> vector<2048x384xf32>
      %reshape3A = vector.shape_cast %dot_general3A_113 : vector<2048x384xf32> to vector<6144x128xf32>
      %convert_element_type3A_114 = arith.truncf %reshape3A : vector<6144x128xf32> to vector<6144x128xbf16>
      %get3A_115 = arith.constant 0 : index
      %get3A_116 = arith.constant 0 : index
      %get3A_117 = vector.load %arg17[%get3A_115, %get3A_116] : memref<2048x6144xbf16, #tpu.memory_space<vmem>>, vector<128x6144xbf16>
      %dot_general3A_118 = arith.constant dense<0.000000e+00> : vector<128x128xf32>
      %dot_general3A_119 = tpu.matmul %get3A_117, %convert_element_type3A_114, %dot_general3A_118 {dimension_numbers = #tpu.dot_dimension_numbers<[1], [0], [0], [1], [0, 0, 1, 1], [], []>, transpose_lhs_hint = false} : vector<128x6144xbf16>, vector<6144x128xbf16>, vector<128x128xf32> -> vector<128x128xf32>
      %swap3A_120 = arith.constant 0 : index
      %swap3A_121 = arith.constant 0 : index
      %swap3A_122 = vector.load %arg19[%swap3A_120, %swap3A_121] : memref<2048x128xf32, #tpu.memory_space<vmem>>, vector<128x128xf32>
      tpu.vector_store %arg19[%swap3A_120, %swap3A_121], %dot_general3A_119 {strides = array<i32>} : memref<2048x128xf32, #tpu.memory_space<vmem>>, vector<128x128xf32>,
      %get3A_123 = arith.constant 128 : index
      %get3A_124 = arith.constant 0 : index
      %get3A_125 = vector.load %arg17[%get3A_123, %get3A_124] : memref<2048x6144xbf16, #tpu.memory_space<vmem>>, vector<128x6144xbf16>
      %dot_general3A_126 = arith.constant dense<0.000000e+00> : vector<128x128xf32>
      %dot_general3A_127 = tpu.matmul %get3A_125, %convert_element_type3A_114, %dot_general3A_126 {dimension_numbers = #tpu.dot_dimension_numbers<[1], [0], [0], [1], [0, 0, 1, 1], [], []>, transpose_lhs_hint = false} : vector<128x6144xbf16>, vector<6144x128xbf16>, vector<128x128xf32> -> vector<128x128xf32>
      %swap3A_128 = arith.constant 128 : index
      %swap3A_129 = arith.constant 0 : index
      %swap3A_130 = vector.load %arg19[%swap3A_128, %swap3A_129] : memref<2048x128xf32, #tpu.memory_space<vmem>>, vector<128x128xf32>
      tpu.vector_store %arg19[%swap3A_128, %swap3A_129], %dot_general3A_127 {strides = array<i32>} : memref<2048x128xf32, #tpu.memory_space<vmem>>, vector<128x128xf32>,
      %get3A_131 = arith.constant 256 : index
      %get3A_132 = arith.constant 0 : index
      %get3A_133 = vector.load %arg17[%get3A_131, %get3A_132] : memref<2048x6144xbf16, #tpu.memory_space<vmem>>, vector<128x6144xbf16>
      %dot_general3A_134 = arith.constant dense<0.000000e+00> : vector<128x128xf32>
      %dot_general3A_135 = tpu.matmul %get3A_133, %convert_element_type3A_114, %dot_general3A_134 {dimension_numbers = #tpu.dot_dimension_numbers<[1], [0], [0], [1], [0, 0, 1, 1], [], []>, transpose_lhs_hint = false} : vector<128x6144xbf16>, vector<6144x128xbf16>, vector<128x128xf32> -> vector<128x128xf32>
      %swap3A_136 = arith.constant 256 : index
      %swap3A_137 = arith.constant 0 : index
      %swap3A_138 = vector.load %arg19[%swap3A_136, %swap3A_137] : memref<2048x128xf32, #tpu.memory_space<vmem>>, vector<128x128xf32>
      tpu.vector_store %arg19[%swap3A_136, %swap3A_137], %dot_general3A_135 {strides = array<i32>} : memref<2048x128xf32, #tpu.memory_space<vmem>>, vector<128x128xf32>,
      %get3A_139 = arith.constant 384 : index
      %get3A_140 = arith.constant 0 : index
      %get3A_141 = vector.load %arg17[%get3A_139, %get3A_140] : memref<2048x6144xbf16, #tpu.memory_space<vmem>>, vector<128x6144xbf16>
      %dot_general3A_142 = arith.constant dense<0.000000e+00> : vector<128x128xf32>
      %dot_general3A_143 = tpu.matmul %get3A_141, %convert_element_type3A_114, %dot_general3A_142 {dimension_numbers = #tpu.dot_dimension_numbers<[1], [0], [0], [1], [0, 0, 1, 1], [], []>, transpose_lhs_hint = false} : vector<128x6144xbf16>, vector<6144x128xbf16>, vector<128x128xf32> -> vector<128x128xf32>
      %swap3A_144 = arith.constant 384 : index
      %swap3A_145 = arith.constant 0 : index
      %swap3A_146 = vector.load %arg19[%swap3A_144, %swap3A_145] : memref<2048x128xf32, #tpu.memory_space<vmem>>, vector<128x128xf32>
      tpu.vector_store %arg19[%swap3A_144, %swap3A_145], %dot_general3A_143 {strides = array<i32>} : memref<2048x128xf32, #tpu.memory_space<vmem>>, vector<128x128xf32>,
      %get3A_147 = arith.constant 512 : index
      %get3A_148 = arith.constant 0 : index
      %get3A_149 = vector.load %arg17[%get3A_147, %get3A_148] : memref<2048x6144xbf16, #tpu.memory_space<vmem>>, vector<128x6144xbf16>
      %dot_general3A_150 = arith.constant dense<0.000000e+00> : vector<128x128xf32>
      %dot_general3A_151 = tpu.matmul %get3A_149, %convert_element_type3A_114, %dot_general3A_150 {dimension_numbers = #tpu.dot_dimension_numbers<[1], [0], [0], [1], [0, 0, 1, 1], [], []>, transpose_lhs_hint = false} : vector<128x6144xbf16>, vector<6144x128xbf16>, vector<128x128xf32> -> vector<128x128xf32>
      %swap3A_152 = arith.constant 512 : index
      %swap3A_153 = arith.constant 0 : index
      %swap3A_154 = vector.load %arg19[%swap3A_152, %swap3A_153] : memref<2048x128xf32, #tpu.memory_space<vmem>>, vector<128x128xf32>
      tpu.vector_store %arg19[%swap3A_152, %swap3A_153], %dot_general3A_151 {strides = array<i32>} : memref<2048x128xf32, #tpu.memory_space<vmem>>, vector<128x128xf32>,
      %get3A_155 = arith.constant 640 : index
      %get3A_156 = arith.constant 0 : index
      %get3A_157 = vector.load %arg17[%get3A_155, %get3A_156] : memref<2048x6144xbf16, #tpu.memory_space<vmem>>, vector<128x6144xbf16>
      %dot_general3A_158 = arith.constant dense<0.000000e+00> : vector<128x128xf32>
      %dot_general3A_159 = tpu.matmul %get3A_157, %convert_element_type3A_114, %dot_general3A_158 {dimension_numbers = #tpu.dot_dimension_numbers<[1], [0], [0], [1], [0, 0, 1, 1], [], []>, transpose_lhs_hint = false} : vector<128x6144xbf16>, vector<6144x128xbf16>, vector<128x128xf32> -> vector<128x128xf32>
      %swap3A_160 = arith.constant 640 : index
      %swap3A_161 = arith.constant 0 : index
      %swap3A_162 = vector.load %arg19[%swap3A_160, %swap3A_161] : memref<2048x128xf32, #tpu.memory_space<vmem>>, vector<128x128xf32>
      tpu.vector_store %arg19[%swap3A_160, %swap3A_161], %dot_general3A_159 {strides = array<i32>} : memref<2048x128xf32, #tpu.memory_space<vmem>>, vector<128x128xf32>,
      %get3A_163 = arith.constant 768 : index
      %get3A_164 = arith.constant 0 : index
      %get3A_165 = vector.load %arg17[%get3A_163, %get3A_164] : memref<2048x6144xbf16, #tpu.memory_space<vmem>>, vector<128x6144xbf16>
      %dot_general3A_166 = arith.constant dense<0.000000e+00> : vector<128x128xf32>
      %dot_general3A_167 = tpu.matmul %get3A_165, %convert_element_type3A_114, %dot_general3A_166 {dimension_numbers = #tpu.dot_dimension_numbers<[1], [0], [0], [1], [0, 0, 1, 1], [], []>, transpose_lhs_hint = false} : vector<128x6144xbf16>, vector<6144x128xbf16>, vector<128x128xf32> -> vector<128x128xf32>
      %swap3A_168 = arith.constant 768 : index
      %swap3A_169 = arith.constant 0 : index
      %swap3A_170 = vector.load %arg19[%swap3A_168, %swap3A_169] : memref<2048x128xf32, #tpu.memory_space<vmem>>, vector<128x128xf32>
      tpu.vector_store %arg19[%swap3A_168, %swap3A_169], %dot_general3A_167 {strides = array<i32>} : memref<2048x128xf32, #tpu.memory_space<vmem>>, vector<128x128xf32>,
      %get3A_171 = arith.constant 896 : index
      %get3A_172 = arith.constant 0 : index
      %get3A_173 = vector.load %arg17[%get3A_171, %get3A_172] : memref<2048x6144xbf16, #tpu.memory_space<vmem>>, vector<128x6144xbf16>
      %dot_general3A_174 = arith.constant dense<0.000000e+00> : vector<128x128xf32>
      %dot_general3A_175 = tpu.matmul %get3A_173, %convert_element_type3A_114, %dot_general3A_174 {dimension_numbers = #tpu.dot_dimension_numbers<[1], [0], [0], [1], [0, 0, 1, 1], [], []>, transpose_lhs_hint = false} : vector<128x6144xbf16>, vector<6144x128xbf16>, vector<128x128xf32> -> vector<128x128xf32>
      %swap3A_176 = arith.constant 896 : index
      %swap3A_177 = arith.constant 0 : index
      %swap3A_178 = vector.load %arg19[%swap3A_176, %swap3A_177] : memref<2048x128xf32, #tpu.memory_space<vmem>>, vector<128x128xf32>
      tpu.vector_store %arg19[%swap3A_176, %swap3A_177], %dot_general3A_175 {strides = array<i32>} : memref<2048x128xf32, #tpu.memory_space<vmem>>, vector<128x128xf32>,
      %get3A_179 = arith.constant 1024 : index
      %get3A_180 = arith.constant 0 : index
      %get3A_181 = vector.load %arg17[%get3A_179, %get3A_180] : memref<2048x6144xbf16, #tpu.memory_space<vmem>>, vector<128x6144xbf16>
      %dot_general3A_182 = arith.constant dense<0.000000e+00> : vector<128x128xf32>
      %dot_general3A_183 = tpu.matmul %get3A_181, %convert_element_type3A_114, %dot_general3A_182 {dimension_numbers = #tpu.dot_dimension_numbers<[1], [0], [0], [1], [0, 0, 1, 1], [], []>, transpose_lhs_hint = false} : vector<128x6144xbf16>, vector<6144x128xbf16>, vector<128x128xf32> -> vector<128x128xf32>
      %swap3A_184 = arith.constant 1024 : index
      %swap3A_185 = arith.constant 0 : index
      %swap3A_186 = vector.load %arg19[%swap3A_184, %swap3A_185] : memref<2048x128xf32, #tpu.memory_space<vmem>>, vector<128x128xf32>
      tpu.vector_store %arg19[%swap3A_184, %swap3A_185], %dot_general3A_183 {strides = array<i32>} : memref<2048x128xf32, #tpu.memory_space<vmem>>, vector<128x128xf32>,
      %get3A_187 = arith.constant 1152 : index
      %get3A_188 = arith.constant 0 : index
      %get3A_189 = vector.load %arg17[%get3A_187, %get3A_188] : memref<2048x6144xbf16, #tpu.memory_space<vmem>>, vector<128x6144xbf16>
      %dot_general3A_190 = arith.constant dense<0.000000e+00> : vector<128x128xf32>
      %dot_general3A_191 = tpu.matmul %get3A_189, %convert_element_type3A_114, %dot_general3A_190 {dimension_numbers = #tpu.dot_dimension_numbers<[1], [0], [0], [1], [0, 0, 1, 1], [], []>, transpose_lhs_hint = false} : vector<128x6144xbf16>, vector<6144x128xbf16>, vector<128x128xf32> -> vector<128x128xf32>
      %swap3A_192 = arith.constant 1152 : index
      %swap3A_193 = arith.constant 0 : index
      %swap3A_194 = vector.load %arg19[%swap3A_192, %swap3A_193] : memref<2048x128xf32, #tpu.memory_space<vmem>>, vector<128x128xf32>
      tpu.vector_store %arg19[%swap3A_192, %swap3A_193], %dot_general3A_191 {strides = array<i32>} : memref<2048x128xf32, #tpu.memory_space<vmem>>, vector<128x128xf32>,
      %get3A_195 = arith.constant 1280 : index
      %get3A_196 = arith.constant 0 : index
      %get3A_197 = vector.load %arg17[%get3A_195, %get3A_196] : memref<2048x6144xbf16, #tpu.memory_space<vmem>>, vector<128x6144xbf16>
      %dot_general3A_198 = arith.constant dense<0.000000e+00> : vector<128x128xf32>
      %dot_general3A_199 = tpu.matmul %get3A_197, %convert_element_type3A_114, %dot_general3A_198 {dimension_numbers = #tpu.dot_dimension_numbers<[1], [0], [0], [1], [0, 0, 1, 1], [], []>, transpose_lhs_hint = false} : vector<128x6144xbf16>, vector<6144x128xbf16>, vector<128x128xf32> -> vector<128x128xf32>
      %swap3A_200 = arith.constant 1280 : index
      %swap3A_201 = arith.constant 0 : index
      %swap3A_202 = vector.load %arg19[%swap3A_200, %swap3A_201] : memref<2048x128xf32, #tpu.memory_space<vmem>>, vector<128x128xf32>
      tpu.vector_store %arg19[%swap3A_200, %swap3A_201], %dot_general3A_199 {strides = array<i32>} : memref<2048x128xf32, #tpu.memory_space<vmem>>, vector<128x128xf32>,
      %get3A_203 = arith.constant 1408 : index
      %get3A_204 = arith.constant 0 : index
      %get3A_205 = vector.load %arg17[%get3A_203, %get3A_204] : memref<2048x6144xbf16, #tpu.memory_space<vmem>>, vector<128x6144xbf16>
      %dot_general3A_206 = arith.constant dense<0.000000e+00> : vector<128x128xf32>
      %dot_general3A_207 = tpu.matmul %get3A_205, %convert_element_type3A_114, %dot_general3A_206 {dimension_numbers = #tpu.dot_dimension_numbers<[1], [0], [0], [1], [0, 0, 1, 1], [], []>, transpose_lhs_hint = false} : vector<128x6144xbf16>, vector<6144x128xbf16>, vector<128x128xf32> -> vector<128x128xf32>
      %swap3A_208 = arith.constant 1408 : index
      %swap3A_209 = arith.constant 0 : index
      %swap3A_210 = vector.load %arg19[%swap3A_208, %swap3A_209] : memref<2048x128xf32, #tpu.memory_space<vmem>>, vector<128x128xf32>
      tpu.vector_store %arg19[%swap3A_208, %swap3A_209], %dot_general3A_207 {strides = array<i32>} : memref<2048x128xf32, #tpu.memory_space<vmem>>, vector<128x128xf32>,
      %get3A_211 = arith.constant 1536 : index
      %get3A_212 = arith.constant 0 : index
      %get3A_213 = vector.load %arg17[%get3A_211, %get3A_212] : memref<2048x6144xbf16, #tpu.memory_space<vmem>>, vector<128x6144xbf16>
      %dot_general3A_214 = arith.constant dense<0.000000e+00> : vector<128x128xf32>
      %dot_general3A_215 = tpu.matmul %get3A_213, %convert_element_type3A_114, %dot_general3A_214 {dimension_numbers = #tpu.dot_dimension_numbers<[1], [0], [0], [1], [0, 0, 1, 1], [], []>, transpose_lhs_hint = false} : vector<128x6144xbf16>, vector<6144x128xbf16>, vector<128x128xf32> -> vector<128x128xf32>
      %swap3A_216 = arith.constant 1536 : index
      %swap3A_217 = arith.constant 0 : index
      %swap3A_218 = vector.load %arg19[%swap3A_216, %swap3A_217] : memref<2048x128xf32, #tpu.memory_space<vmem>>, vector<128x128xf32>
      tpu.vector_store %arg19[%swap3A_216, %swap3A_217], %dot_general3A_215 {strides = array<i32>} : memref<2048x128xf32, #tpu.memory_space<vmem>>, vector<128x128xf32>,
      %get3A_219 = arith.constant 1664 : index
      %get3A_220 = arith.constant 0 : index
      %get3A_221 = vector.load %arg17[%get3A_219, %get3A_220] : memref<2048x6144xbf16, #tpu.memory_space<vmem>>, vector<128x6144xbf16>
      %dot_general3A_222 = arith.constant dense<0.000000e+00> : vector<128x128xf32>
      %dot_general3A_223 = tpu.matmul %get3A_221, %convert_element_type3A_114, %dot_general3A_222 {dimension_numbers = #tpu.dot_dimension_numbers<[1], [0], [0], [1], [0, 0, 1, 1], [], []>, transpose_lhs_hint = false} : vector<128x6144xbf16>, vector<6144x128xbf16>, vector<128x128xf32> -> vector<128x128xf32>
      %swap3A_224 = arith.constant 1664 : index
      %swap3A_225 = arith.constant 0 : index
      %swap3A_226 = vector.load %arg19[%swap3A_224, %swap3A_225] : memref<2048x128xf32, #tpu.memory_space<vmem>>, vector<128x128xf32>
      tpu.vector_store %arg19[%swap3A_224, %swap3A_225], %dot_general3A_223 {strides = array<i32>} : memref<2048x128xf32, #tpu.memory_space<vmem>>, vector<128x128xf32>,
      %get3A_227 = arith.constant 1792 : index
      %get3A_228 = arith.constant 0 : index
      %get3A_229 = vector.load %arg17[%get3A_227, %get3A_228] : memref<2048x6144xbf16, #tpu.memory_space<vmem>>, vector<128x6144xbf16>
      %dot_general3A_230 = arith.constant dense<0.000000e+00> : vector<128x128xf32>
      %dot_general3A_231 = tpu.matmul %get3A_229, %convert_element_type3A_114, %dot_general3A_230 {dimension_numbers = #tpu.dot_dimension_numbers<[1], [0], [0], [1], [0, 0, 1, 1], [], []>, transpose_lhs_hint = false} : vector<128x6144xbf16>, vector<6144x128xbf16>, vector<128x128xf32> -> vector<128x128xf32>
      %swap3A_232 = arith.constant 1792 : index
      %swap3A_233 = arith.constant 0 : index
      %swap3A_234 = vector.load %arg19[%swap3A_232, %swap3A_233] : memref<2048x128xf32, #tpu.memory_space<vmem>>, vector<128x128xf32>
      tpu.vector_store %arg19[%swap3A_232, %swap3A_233], %dot_general3A_231 {strides = array<i32>} : memref<2048x128xf32, #tpu.memory_space<vmem>>, vector<128x128xf32>,
      %get3A_235 = arith.constant 1920 : index
      %get3A_236 = arith.constant 0 : index
      %get3A_237 = vector.load %arg17[%get3A_235, %get3A_236] : memref<2048x6144xbf16, #tpu.memory_space<vmem>>, vector<128x6144xbf16>
      %dot_general3A_238 = arith.constant dense<0.000000e+00> : vector<128x128xf32>
      %dot_general3A_239 = tpu.matmul %get3A_237, %convert_element_type3A_114, %dot_general3A_238 {dimension_numbers = #tpu.dot_dimension_numbers<[1], [0], [0], [1], [0, 0, 1, 1], [], []>, transpose_lhs_hint = false} : vector<128x6144xbf16>, vector<6144x128xbf16>, vector<128x128xf32> -> vector<128x128xf32>
      %swap3A_240 = arith.constant 1920 : index
      %swap3A_241 = arith.constant 0 : index
      %swap3A_242 = vector.load %arg19[%swap3A_240, %swap3A_241] : memref<2048x128xf32, #tpu.memory_space<vmem>>, vector<128x128xf32>
      tpu.vector_store %arg19[%swap3A_240, %swap3A_241], %dot_general3A_239 {strides = array<i32>} : memref<2048x128xf32, #tpu.memory_space<vmem>>, vector<128x128xf32>,
      %get3A_243 = arith.constant 0 : index
      %get3A_244 = arith.constant 0 : index
      %get3A_245 = vector.load %arg19[%get3A_243, %get3A_244] : memref<2048x128xf32, #tpu.memory_space<vmem>>, vector<2048x128xf32>
      %get3A_246 = arith.constant 0 : index
      %get3A_247 = arith.constant 0 : index
      %get3A_248 = vector.load %arg11[%get3A_246, %get3A_247] : memref<1x128xf32, #tpu.memory_space<vmem>>, vector<1x128xf32>
      %add3A_249 = vector.broadcast %get3A_248 : vector<1x128xf32> to vector<2048x128xf32>
      %add3A_250 = arith.addf %get3A_245, %add3A_249 : vector<2048x128xf32>
      %iota3A_251 = tpu.iota {dimensions = array<i32: 1>} : vector<2048x128xi32>
      %lt3A_252 = arith.constant 16 : i32
      %lt3A_253 = vector.broadcast %lt3A_252 : i32 to vector<2048x128xi32>
      %lt3A_254 = arith.cmpi slt, %iota3A_251, %lt3A_253 : vector<2048x128xi32>
      %max3A_255 = arith.constant 0.000000e+00 : f32
      %max3A_256 = vector.broadcast %max3A_255 : f32 to vector<2048x128xf32>
      %max3A_257 = arith.maximumf %add3A_250, %max3A_256 : vector<2048x128xf32>
      %select_n3A_258 = arith.select %lt3A_254, %max3A_257, %add3A_250 : vector<2048x128xi1>, vector<2048x128xf32>
      %mul3A_259 = vector.broadcast %get3A_94 : vector<2048x1xf32> to vector<2048x128xf32>
      %mul3A_260 = arith.mulf %select_n3A_258, %mul3A_259 : vector<2048x128xf32>
      %get3A_261 = arith.constant 0 : index
      %get3A_262 = arith.constant 0 : index
      %get3A_263 = vector.load %arg12[%get3A_261, %get3A_262] : memref<128x384xf32, #tpu.memory_space<vmem>>, vector<128x384xf32>
      %dot_general3A_264 = arith.constant dense<0.000000e+00> : vector<2048x384xf32>
      %dot_general3A_265 = tpu.matmul %mul3A_260, %get3A_263, %dot_general3A_264 {dimension_numbers = #tpu.dot_dimension_numbers<[1], [0], [0], [1], [0, 0, 1, 1], [], []>, transpose_lhs_hint = false} : vector<2048x128xf32>, vector<128x384xf32>, vector<2048x384xf32> -> vector<2048x384xf32>
      %reshape3A_266 = vector.shape_cast %dot_general3A_265 : vector<2048x384xf32> to vector<6144x128xf32>
      %convert_element_type3A_267 = arith.truncf %reshape3A_266 : vector<6144x128xf32> to vector<6144x128xbf16>
      %get3A_268 = arith.constant 0 : index
      %get3A_269 = arith.constant 0 : index
      %get3A_270 = vector.load %arg17[%get3A_268, %get3A_269] : memref<2048x6144xbf16, #tpu.memory_space<vmem>>, vector<128x6144xbf16>
      %dot_general3A_271 = arith.constant dense<0.000000e+00> : vector<128x128xf32>
      %dot_general3A_272 = tpu.matmul %get3A_270, %convert_element_type3A_267, %dot_general3A_271 {dimension_numbers = #tpu.dot_dimension_numbers<[1], [0], [0], [1], [0, 0, 1, 1], [], []>, transpose_lhs_hint = false} : vector<128x6144xbf16>, vector<6144x128xbf16>, vector<128x128xf32> -> vector<128x128xf32>
      %swap3A_273 = arith.constant 0 : index
      %swap3A_274 = arith.constant 0 : index
      %swap3A_275 = vector.load %arg19[%swap3A_273, %swap3A_274] : memref<2048x128xf32, #tpu.memory_space<vmem>>, vector<128x128xf32>
      tpu.vector_store %arg19[%swap3A_273, %swap3A_274], %dot_general3A_272 {strides = array<i32>} : memref<2048x128xf32, #tpu.memory_space<vmem>>, vector<128x128xf32>,
      %get3A_276 = arith.constant 128 : index
      %get3A_277 = arith.constant 0 : index
      %get3A_278 = vector.load %arg17[%get3A_276, %get3A_277] : memref<2048x6144xbf16, #tpu.memory_space<vmem>>, vector<128x6144xbf16>
      %dot_general3A_279 = arith.constant dense<0.000000e+00> : vector<128x128xf32>
      %dot_general3A_280 = tpu.matmul %get3A_278, %convert_element_type3A_267, %dot_general3A_279 {dimension_numbers = #tpu.dot_dimension_numbers<[1], [0], [0], [1], [0, 0, 1, 1], [], []>, transpose_lhs_hint = false} : vector<128x6144xbf16>, vector<6144x128xbf16>, vector<128x128xf32> -> vector<128x128xf32>
      %swap3A_281 = arith.constant 128 : index
      %swap3A_282 = arith.constant 0 : index
      %swap3A_283 = vector.load %arg19[%swap3A_281, %swap3A_282] : memref<2048x128xf32, #tpu.memory_space<vmem>>, vector<128x128xf32>
      tpu.vector_store %arg19[%swap3A_281, %swap3A_282], %dot_general3A_280 {strides = array<i32>} : memref<2048x128xf32, #tpu.memory_space<vmem>>, vector<128x128xf32>,
      %get3A_284 = arith.constant 256 : index
      %get3A_285 = arith.constant 0 : index
      %get3A_286 = vector.load %arg17[%get3A_284, %get3A_285] : memref<2048x6144xbf16, #tpu.memory_space<vmem>>, vector<128x6144xbf16>
      %dot_general3A_287 = arith.constant dense<0.000000e+00> : vector<128x128xf32>
      %dot_general3A_288 = tpu.matmul %get3A_286, %convert_element_type3A_267, %dot_general3A_287 {dimension_numbers = #tpu.dot_dimension_numbers<[1], [0], [0], [1], [0, 0, 1, 1], [], []>, transpose_lhs_hint = false} : vector<128x6144xbf16>, vector<6144x128xbf16>, vector<128x128xf32> -> vector<128x128xf32>
      %swap3A_289 = arith.constant 256 : index
      %swap3A_290 = arith.constant 0 : index
      %swap3A_291 = vector.load %arg19[%swap3A_289, %swap3A_290] : memref<2048x128xf32, #tpu.memory_space<vmem>>, vector<128x128xf32>
      tpu.vector_store %arg19[%swap3A_289, %swap3A_290], %dot_general3A_288 {strides = array<i32>} : memref<2048x128xf32, #tpu.memory_space<vmem>>, vector<128x128xf32>,
      %get3A_292 = arith.constant 384 : index
      %get3A_293 = arith.constant 0 : index
      %get3A_294 = vector.load %arg17[%get3A_292, %get3A_293] : memref<2048x6144xbf16, #tpu.memory_space<vmem>>, vector<128x6144xbf16>
      %dot_general3A_295 = arith.constant dense<0.000000e+00> : vector<128x128xf32>
      %dot_general3A_296 = tpu.matmul %get3A_294, %convert_element_type3A_267, %dot_general3A_295 {dimension_numbers = #tpu.dot_dimension_numbers<[1], [0], [0], [1], [0, 0, 1, 1], [], []>, transpose_lhs_hint = false} : vector<128x6144xbf16>, vector<6144x128xbf16>, vector<128x128xf32> -> vector<128x128xf32>
      %swap3A_297 = arith.constant 384 : index
      %swap3A_298 = arith.constant 0 : index
      %swap3A_299 = vector.load %arg19[%swap3A_297, %swap3A_298] : memref<2048x128xf32, #tpu.memory_space<vmem>>, vector<128x128xf32>
      tpu.vector_store %arg19[%swap3A_297, %swap3A_298], %dot_general3A_296 {strides = array<i32>} : memref<2048x128xf32, #tpu.memory_space<vmem>>, vector<128x128xf32>,
      %get3A_300 = arith.constant 512 : index
      %get3A_301 = arith.constant 0 : index
      %get3A_302 = vector.load %arg17[%get3A_300, %get3A_301] : memref<2048x6144xbf16, #tpu.memory_space<vmem>>, vector<128x6144xbf16>
      %dot_general3A_303 = arith.constant dense<0.000000e+00> : vector<128x128xf32>
      %dot_general3A_304 = tpu.matmul %get3A_302, %convert_element_type3A_267, %dot_general3A_303 {dimension_numbers = #tpu.dot_dimension_numbers<[1], [0], [0], [1], [0, 0, 1, 1], [], []>, transpose_lhs_hint = false} : vector<128x6144xbf16>, vector<6144x128xbf16>, vector<128x128xf32> -> vector<128x128xf32>
      %swap3A_305 = arith.constant 512 : index
      %swap3A_306 = arith.constant 0 : index
      %swap3A_307 = vector.load %arg19[%swap3A_305, %swap3A_306] : memref<2048x128xf32, #tpu.memory_space<vmem>>, vector<128x128xf32>
      tpu.vector_store %arg19[%swap3A_305, %swap3A_306], %dot_general3A_304 {strides = array<i32>} : memref<2048x128xf32, #tpu.memory_space<vmem>>, vector<128x128xf32>,
      %get3A_308 = arith.constant 640 : index
      %get3A_309 = arith.constant 0 : index
      %get3A_310 = vector.load %arg17[%get3A_308, %get3A_309] : memref<2048x6144xbf16, #tpu.memory_space<vmem>>, vector<128x6144xbf16>
      %dot_general3A_311 = arith.constant dense<0.000000e+00> : vector<128x128xf32>
      %dot_general3A_312 = tpu.matmul %get3A_310, %convert_element_type3A_267, %dot_general3A_311 {dimension_numbers = #tpu.dot_dimension_numbers<[1], [0], [0], [1], [0, 0, 1, 1], [], []>, transpose_lhs_hint = false} : vector<128x6144xbf16>, vector<6144x128xbf16>, vector<128x128xf32> -> vector<128x128xf32>
      %swap3A_313 = arith.constant 640 : index
      %swap3A_314 = arith.constant 0 : index
      %swap3A_315 = vector.load %arg19[%swap3A_313, %swap3A_314] : memref<2048x128xf32, #tpu.memory_space<vmem>>, vector<128x128xf32>
      tpu.vector_store %arg19[%swap3A_313, %swap3A_314], %dot_general3A_312 {strides = array<i32>} : memref<2048x128xf32, #tpu.memory_space<vmem>>, vector<128x128xf32>,
      %get3A_316 = arith.constant 768 : index
      %get3A_317 = arith.constant 0 : index
      %get3A_318 = vector.load %arg17[%get3A_316, %get3A_317] : memref<2048x6144xbf16, #tpu.memory_space<vmem>>, vector<128x6144xbf16>
      %dot_general3A_319 = arith.constant dense<0.000000e+00> : vector<128x128xf32>
      %dot_general3A_320 = tpu.matmul %get3A_318, %convert_element_type3A_267, %dot_general3A_319 {dimension_numbers = #tpu.dot_dimension_numbers<[1], [0], [0], [1], [0, 0, 1, 1], [], []>, transpose_lhs_hint = false} : vector<128x6144xbf16>, vector<6144x128xbf16>, vector<128x128xf32> -> vector<128x128xf32>
      %swap3A_321 = arith.constant 768 : index
      %swap3A_322 = arith.constant 0 : index
      %swap3A_323 = vector.load %arg19[%swap3A_321, %swap3A_322] : memref<2048x128xf32, #tpu.memory_space<vmem>>, vector<128x128xf32>
      tpu.vector_store %arg19[%swap3A_321, %swap3A_322], %dot_general3A_320 {strides = array<i32>} : memref<2048x128xf32, #tpu.memory_space<vmem>>, vector<128x128xf32>,
      %get3A_324 = arith.constant 896 : index
      %get3A_325 = arith.constant 0 : index
      %get3A_326 = vector.load %arg17[%get3A_324, %get3A_325] : memref<2048x6144xbf16, #tpu.memory_space<vmem>>, vector<128x6144xbf16>
      %dot_general3A_327 = arith.constant dense<0.000000e+00> : vector<128x128xf32>
      %dot_general3A_328 = tpu.matmul %get3A_326, %convert_element_type3A_267, %dot_general3A_327 {dimension_numbers = #tpu.dot_dimension_numbers<[1], [0], [0], [1], [0, 0, 1, 1], [], []>, transpose_lhs_hint = false} : vector<128x6144xbf16>, vector<6144x128xbf16>, vector<128x128xf32> -> vector<128x128xf32>
      %swap3A_329 = arith.constant 896 : index
      %swap3A_330 = arith.constant 0 : index
      %swap3A_331 = vector.load %arg19[%swap3A_329, %swap3A_330] : memref<2048x128xf32, #tpu.memory_space<vmem>>, vector<128x128xf32>
      tpu.vector_store %arg19[%swap3A_329, %swap3A_330], %dot_general3A_328 {strides = array<i32>} : memref<2048x128xf32, #tpu.memory_space<vmem>>, vector<128x128xf32>,
      %get3A_332 = arith.constant 1024 : index
      %get3A_333 = arith.constant 0 : index
      %get3A_334 = vector.load %arg17[%get3A_332, %get3A_333] : memref<2048x6144xbf16, #tpu.memory_space<vmem>>, vector<128x6144xbf16>
      %dot_general3A_335 = arith.constant dense<0.000000e+00> : vector<128x128xf32>
      %dot_general3A_336 = tpu.matmul %get3A_334, %convert_element_type3A_267, %dot_general3A_335 {dimension_numbers = #tpu.dot_dimension_numbers<[1], [0], [0], [1], [0, 0, 1, 1], [], []>, transpose_lhs_hint = false} : vector<128x6144xbf16>, vector<6144x128xbf16>, vector<128x128xf32> -> vector<128x128xf32>
      %swap3A_337 = arith.constant 1024 : index
      %swap3A_338 = arith.constant 0 : index
      %swap3A_339 = vector.load %arg19[%swap3A_337, %swap3A_338] : memref<2048x128xf32, #tpu.memory_space<vmem>>, vector<128x128xf32>
      tpu.vector_store %arg19[%swap3A_337, %swap3A_338], %dot_general3A_336 {strides = array<i32>} : memref<2048x128xf32, #tpu.memory_space<vmem>>, vector<128x128xf32>,
      %get3A_340 = arith.constant 1152 : index
      %get3A_341 = arith.constant 0 : index
      %get3A_342 = vector.load %arg17[%get3A_340, %get3A_341] : memref<2048x6144xbf16, #tpu.memory_space<vmem>>, vector<128x6144xbf16>
      %dot_general3A_343 = arith.constant dense<0.000000e+00> : vector<128x128xf32>
      %dot_general3A_344 = tpu.matmul %get3A_342, %convert_element_type3A_267, %dot_general3A_343 {dimension_numbers = #tpu.dot_dimension_numbers<[1], [0], [0], [1], [0, 0, 1, 1], [], []>, transpose_lhs_hint = false} : vector<128x6144xbf16>, vector<6144x128xbf16>, vector<128x128xf32> -> vector<128x128xf32>
      %swap3A_345 = arith.constant 1152 : index
      %swap3A_346 = arith.constant 0 : index
      %swap3A_347 = vector.load %arg19[%swap3A_345, %swap3A_346] : memref<2048x128xf32, #tpu.memory_space<vmem>>, vector<128x128xf32>
      tpu.vector_store %arg19[%swap3A_345, %swap3A_346], %dot_general3A_344 {strides = array<i32>} : memref<2048x128xf32, #tpu.memory_space<vmem>>, vector<128x128xf32>,
      %get3A_348 = arith.constant 1280 : index
      %get3A_349 = arith.constant 0 : index
      %get3A_350 = vector.load %arg17[%get3A_348, %get3A_349] : memref<2048x6144xbf16, #tpu.memory_space<vmem>>, vector<128x6144xbf16>
      %dot_general3A_351 = arith.constant dense<0.000000e+00> : vector<128x128xf32>
      %dot_general3A_352 = tpu.matmul %get3A_350, %convert_element_type3A_267, %dot_general3A_351 {dimension_numbers = #tpu.dot_dimension_numbers<[1], [0], [0], [1], [0, 0, 1, 1], [], []>, transpose_lhs_hint = false} : vector<128x6144xbf16>, vector<6144x128xbf16>, vector<128x128xf32> -> vector<128x128xf32>
      %swap3A_353 = arith.constant 1280 : index
      %swap3A_354 = arith.constant 0 : index
      %swap3A_355 = vector.load %arg19[%swap3A_353, %swap3A_354] : memref<2048x128xf32, #tpu.memory_space<vmem>>, vector<128x128xf32>
      tpu.vector_store %arg19[%swap3A_353, %swap3A_354], %dot_general3A_352 {strides = array<i32>} : memref<2048x128xf32, #tpu.memory_space<vmem>>, vector<128x128xf32>,
      %get3A_356 = arith.constant 1408 : index
      %get3A_357 = arith.constant 0 : index
      %get3A_358 = vector.load %arg17[%get3A_356, %get3A_357] : memref<2048x6144xbf16, #tpu.memory_space<vmem>>, vector<128x6144xbf16>
      %dot_general3A_359 = arith.constant dense<0.000000e+00> : vector<128x128xf32>
      %dot_general3A_360 = tpu.matmul %get3A_358, %convert_element_type3A_267, %dot_general3A_359 {dimension_numbers = #tpu.dot_dimension_numbers<[1], [0], [0], [1], [0, 0, 1, 1], [], []>, transpose_lhs_hint = false} : vector<128x6144xbf16>, vector<6144x128xbf16>, vector<128x128xf32> -> vector<128x128xf32>
      %swap3A_361 = arith.constant 1408 : index
      %swap3A_362 = arith.constant 0 : index
      %swap3A_363 = vector.load %arg19[%swap3A_361, %swap3A_362] : memref<2048x128xf32, #tpu.memory_space<vmem>>, vector<128x128xf32>
      tpu.vector_store %arg19[%swap3A_361, %swap3A_362], %dot_general3A_360 {strides = array<i32>} : memref<2048x128xf32, #tpu.memory_space<vmem>>, vector<128x128xf32>,
      %get3A_364 = arith.constant 1536 : index
      %get3A_365 = arith.constant 0 : index
      %get3A_366 = vector.load %arg17[%get3A_364, %get3A_365] : memref<2048x6144xbf16, #tpu.memory_space<vmem>>, vector<128x6144xbf16>
      %dot_general3A_367 = arith.constant dense<0.000000e+00> : vector<128x128xf32>
      %dot_general3A_368 = tpu.matmul %get3A_366, %convert_element_type3A_267, %dot_general3A_367 {dimension_numbers = #tpu.dot_dimension_numbers<[1], [0], [0], [1], [0, 0, 1, 1], [], []>, transpose_lhs_hint = false} : vector<128x6144xbf16>, vector<6144x128xbf16>, vector<128x128xf32> -> vector<128x128xf32>
      %swap3A_369 = arith.constant 1536 : index
      %swap3A_370 = arith.constant 0 : index
      %swap3A_371 = vector.load %arg19[%swap3A_369, %swap3A_370] : memref<2048x128xf32, #tpu.memory_space<vmem>>, vector<128x128xf32>
      tpu.vector_store %arg19[%swap3A_369, %swap3A_370], %dot_general3A_368 {strides = array<i32>} : memref<2048x128xf32, #tpu.memory_space<vmem>>, vector<128x128xf32>,
      %get3A_372 = arith.constant 1664 : index
      %get3A_373 = arith.constant 0 : index
      %get3A_374 = vector.load %arg17[%get3A_372, %get3A_373] : memref<2048x6144xbf16, #tpu.memory_space<vmem>>, vector<128x6144xbf16>
      %dot_general3A_375 = arith.constant dense<0.000000e+00> : vector<128x128xf32>
      %dot_general3A_376 = tpu.matmul %get3A_374, %convert_element_type3A_267, %dot_general3A_375 {dimension_numbers = #tpu.dot_dimension_numbers<[1], [0], [0], [1], [0, 0, 1, 1], [], []>, transpose_lhs_hint = false} : vector<128x6144xbf16>, vector<6144x128xbf16>, vector<128x128xf32> -> vector<128x128xf32>
      %swap3A_377 = arith.constant 1664 : index
      %swap3A_378 = arith.constant 0 : index
      %swap3A_379 = vector.load %arg19[%swap3A_377, %swap3A_378] : memref<2048x128xf32, #tpu.memory_space<vmem>>, vector<128x128xf32>
      tpu.vector_store %arg19[%swap3A_377, %swap3A_378], %dot_general3A_376 {strides = array<i32>} : memref<2048x128xf32, #tpu.memory_space<vmem>>, vector<128x128xf32>,
      %get3A_380 = arith.constant 1792 : index
      %get3A_381 = arith.constant 0 : index
      %get3A_382 = vector.load %arg17[%get3A_380, %get3A_381] : memref<2048x6144xbf16, #tpu.memory_space<vmem>>, vector<128x6144xbf16>
      %dot_general3A_383 = arith.constant dense<0.000000e+00> : vector<128x128xf32>
      %dot_general3A_384 = tpu.matmul %get3A_382, %convert_element_type3A_267, %dot_general3A_383 {dimension_numbers = #tpu.dot_dimension_numbers<[1], [0], [0], [1], [0, 0, 1, 1], [], []>, transpose_lhs_hint = false} : vector<128x6144xbf16>, vector<6144x128xbf16>, vector<128x128xf32> -> vector<128x128xf32>
      %swap3A_385 = arith.constant 1792 : index
      %swap3A_386 = arith.constant 0 : index
      %swap3A_387 = vector.load %arg19[%swap3A_385, %swap3A_386] : memref<2048x128xf32, #tpu.memory_space<vmem>>, vector<128x128xf32>
      tpu.vector_store %arg19[%swap3A_385, %swap3A_386], %dot_general3A_384 {strides = array<i32>} : memref<2048x128xf32, #tpu.memory_space<vmem>>, vector<128x128xf32>,
      %get3A_388 = arith.constant 1920 : index
      %get3A_389 = arith.constant 0 : index
      %get3A_390 = vector.load %arg17[%get3A_388, %get3A_389] : memref<2048x6144xbf16, #tpu.memory_space<vmem>>, vector<128x6144xbf16>
      %dot_general3A_391 = arith.constant dense<0.000000e+00> : vector<128x128xf32>
      %dot_general3A_392 = tpu.matmul %get3A_390, %convert_element_type3A_267, %dot_general3A_391 {dimension_numbers = #tpu.dot_dimension_numbers<[1], [0], [0], [1], [0, 0, 1, 1], [], []>, transpose_lhs_hint = false} : vector<128x6144xbf16>, vector<6144x128xbf16>, vector<128x128xf32> -> vector<128x128xf32>
      %swap3A_393 = arith.constant 1920 : index
      %swap3A_394 = arith.constant 0 : index
      %swap3A_395 = vector.load %arg19[%swap3A_393, %swap3A_394] : memref<2048x128xf32, #tpu.memory_space<vmem>>, vector<128x128xf32>
      tpu.vector_store %arg19[%swap3A_393, %swap3A_394], %dot_general3A_392 {strides = array<i32>} : memref<2048x128xf32, #tpu.memory_space<vmem>>, vector<128x128xf32>,
      %get3A_396 = arith.constant 0 : index
      %get3A_397 = arith.constant 0 : index
      %get3A_398 = vector.load %arg19[%get3A_396, %get3A_397] : memref<2048x128xf32, #tpu.memory_space<vmem>>, vector<2048x128xf32>
      %get3A_399 = arith.constant 0 : index
      %get3A_400 = arith.constant 0 : index
      %get3A_401 = vector.load %arg13[%get3A_399, %get3A_400] : memref<1x128xf32, #tpu.memory_space<vmem>>, vector<1x128xf32>
      %add3A_402 = vector.broadcast %get3A_401 : vector<1x128xf32> to vector<2048x128xf32>
      %add3A_403 = arith.addf %get3A_398, %add3A_402 : vector<2048x128xf32>
      %iota3A_404 = tpu.iota {dimensions = array<i32: 1>} : vector<2048x128xi32>
      %lt3A_405 = arith.constant 16 : i32
      %lt3A_406 = vector.broadcast %lt3A_405 : i32 to vector<2048x128xi32>
      %lt3A_407 = arith.cmpi slt, %iota3A_404, %lt3A_406 : vector<2048x128xi32>
      %max3A_408 = arith.constant 0.000000e+00 : f32
      %max3A_409 = vector.broadcast %max3A_408 : f32 to vector<2048x128xf32>
      %max3A_410 = arith.maximumf %add3A_403, %max3A_409 : vector<2048x128xf32>
      %select_n3A_411 = arith.select %lt3A_407, %max3A_410, %add3A_403 : vector<2048x128xi1>, vector<2048x128xf32>
      %mul3A_412 = vector.broadcast %get3A_94 : vector<2048x1xf32> to vector<2048x128xf32>
      %mul3A_413 = arith.mulf %select_n3A_411, %mul3A_412 : vector<2048x128xf32>
      %get3A_414 = arith.constant 0 : index
      %get3A_415 = arith.constant 0 : index
      %get3A_416 = vector.load %arg14[%get3A_414, %get3A_415] : memref<128x384xf32, #tpu.memory_space<vmem>>, vector<128x384xf32>
      %dot_general3A_417 = arith.constant dense<0.000000e+00> : vector<2048x384xf32>
      %dot_general3A_418 = tpu.matmul %mul3A_413, %get3A_416, %dot_general3A_417 {dimension_numbers = #tpu.dot_dimension_numbers<[1], [0], [0], [1], [0, 0, 1, 1], [], []>, transpose_lhs_hint = false} : vector<2048x128xf32>, vector<128x384xf32>, vector<2048x384xf32> -> vector<2048x384xf32>
      %reshape3A_419 = vector.shape_cast %dot_general3A_418 : vector<2048x384xf32> to vector<6144x128xf32>
      %convert_element_type3A_420 = arith.truncf %reshape3A_419 : vector<6144x128xf32> to vector<6144x128xbf16>
      %get3A_421 = arith.constant 0 : index
      %get3A_422 = arith.constant 0 : index
      %get3A_423 = vector.load %arg17[%get3A_421, %get3A_422] : memref<2048x6144xbf16, #tpu.memory_space<vmem>>, vector<128x6144xbf16>
      %dot_general3A_424 = arith.constant dense<0.000000e+00> : vector<128x128xf32>
      %dot_general3A_425 = tpu.matmul %get3A_423, %convert_element_type3A_420, %dot_general3A_424 {dimension_numbers = #tpu.dot_dimension_numbers<[1], [0], [0], [1], [0, 0, 1, 1], [], []>, transpose_lhs_hint = false} : vector<128x6144xbf16>, vector<6144x128xbf16>, vector<128x128xf32> -> vector<128x128xf32>
      %swap3A_426 = arith.constant 0 : index
      %swap3A_427 = arith.constant 0 : index
      %swap3A_428 = vector.load %arg19[%swap3A_426, %swap3A_427] : memref<2048x128xf32, #tpu.memory_space<vmem>>, vector<128x128xf32>
      tpu.vector_store %arg19[%swap3A_426, %swap3A_427], %dot_general3A_425 {strides = array<i32>} : memref<2048x128xf32, #tpu.memory_space<vmem>>, vector<128x128xf32>,
      %get3A_429 = arith.constant 128 : index
      %get3A_430 = arith.constant 0 : index
      %get3A_431 = vector.load %arg17[%get3A_429, %get3A_430] : memref<2048x6144xbf16, #tpu.memory_space<vmem>>, vector<128x6144xbf16>
      %dot_general3A_432 = arith.constant dense<0.000000e+00> : vector<128x128xf32>
      %dot_general3A_433 = tpu.matmul %get3A_431, %convert_element_type3A_420, %dot_general3A_432 {dimension_numbers = #tpu.dot_dimension_numbers<[1], [0], [0], [1], [0, 0, 1, 1], [], []>, transpose_lhs_hint = false} : vector<128x6144xbf16>, vector<6144x128xbf16>, vector<128x128xf32> -> vector<128x128xf32>
      %swap3A_434 = arith.constant 128 : index
      %swap3A_435 = arith.constant 0 : index
      %swap3A_436 = vector.load %arg19[%swap3A_434, %swap3A_435] : memref<2048x128xf32, #tpu.memory_space<vmem>>, vector<128x128xf32>
      tpu.vector_store %arg19[%swap3A_434, %swap3A_435], %dot_general3A_433 {strides = array<i32>} : memref<2048x128xf32, #tpu.memory_space<vmem>>, vector<128x128xf32>,
      %get3A_437 = arith.constant 256 : index
      %get3A_438 = arith.constant 0 : index
      %get3A_439 = vector.load %arg17[%get3A_437, %get3A_438] : memref<2048x6144xbf16, #tpu.memory_space<vmem>>, vector<128x6144xbf16>
      %dot_general3A_440 = arith.constant dense<0.000000e+00> : vector<128x128xf32>
      %dot_general3A_441 = tpu.matmul %get3A_439, %convert_element_type3A_420, %dot_general3A_440 {dimension_numbers = #tpu.dot_dimension_numbers<[1], [0], [0], [1], [0, 0, 1, 1], [], []>, transpose_lhs_hint = false} : vector<128x6144xbf16>, vector<6144x128xbf16>, vector<128x128xf32> -> vector<128x128xf32>
      %swap3A_442 = arith.constant 256 : index
      %swap3A_443 = arith.constant 0 : index
      %swap3A_444 = vector.load %arg19[%swap3A_442, %swap3A_443] : memref<2048x128xf32, #tpu.memory_space<vmem>>, vector<128x128xf32>
      tpu.vector_store %arg19[%swap3A_442, %swap3A_443], %dot_general3A_441 {strides = array<i32>} : memref<2048x128xf32, #tpu.memory_space<vmem>>, vector<128x128xf32>,
      %get3A_445 = arith.constant 384 : index
      %get3A_446 = arith.constant 0 : index
      %get3A_447 = vector.load %arg17[%get3A_445, %get3A_446] : memref<2048x6144xbf16, #tpu.memory_space<vmem>>, vector<128x6144xbf16>
      %dot_general3A_448 = arith.constant dense<0.000000e+00> : vector<128x128xf32>
      %dot_general3A_449 = tpu.matmul %get3A_447, %convert_element_type3A_420, %dot_general3A_448 {dimension_numbers = #tpu.dot_dimension_numbers<[1], [0], [0], [1], [0, 0, 1, 1], [], []>, transpose_lhs_hint = false} : vector<128x6144xbf16>, vector<6144x128xbf16>, vector<128x128xf32> -> vector<128x128xf32>
      %swap3A_450 = arith.constant 384 : index
      %swap3A_451 = arith.constant 0 : index
      %swap3A_452 = vector.load %arg19[%swap3A_450, %swap3A_451] : memref<2048x128xf32, #tpu.memory_space<vmem>>, vector<128x128xf32>
      tpu.vector_store %arg19[%swap3A_450, %swap3A_451], %dot_general3A_449 {strides = array<i32>} : memref<2048x128xf32, #tpu.memory_space<vmem>>, vector<128x128xf32>,
      %get3A_453 = arith.constant 512 : index
      %get3A_454 = arith.constant 0 : index
      %get3A_455 = vector.load %arg17[%get3A_453, %get3A_454] : memref<2048x6144xbf16, #tpu.memory_space<vmem>>, vector<128x6144xbf16>
      %dot_general3A_456 = arith.constant dense<0.000000e+00> : vector<128x128xf32>
      %dot_general3A_457 = tpu.matmul %get3A_455, %convert_element_type3A_420, %dot_general3A_456 {dimension_numbers = #tpu.dot_dimension_numbers<[1], [0], [0], [1], [0, 0, 1, 1], [], []>, transpose_lhs_hint = false} : vector<128x6144xbf16>, vector<6144x128xbf16>, vector<128x128xf32> -> vector<128x128xf32>
      %swap3A_458 = arith.constant 512 : index
      %swap3A_459 = arith.constant 0 : index
      %swap3A_460 = vector.load %arg19[%swap3A_458, %swap3A_459] : memref<2048x128xf32, #tpu.memory_space<vmem>>, vector<128x128xf32>
      tpu.vector_store %arg19[%swap3A_458, %swap3A_459], %dot_general3A_457 {strides = array<i32>} : memref<2048x128xf32, #tpu.memory_space<vmem>>, vector<128x128xf32>,
      %get3A_461 = arith.constant 640 : index
      %get3A_462 = arith.constant 0 : index
      %get3A_463 = vector.load %arg17[%get3A_461, %get3A_462] : memref<2048x6144xbf16, #tpu.memory_space<vmem>>, vector<128x6144xbf16>
      %dot_general3A_464 = arith.constant dense<0.000000e+00> : vector<128x128xf32>
      %dot_general3A_465 = tpu.matmul %get3A_463, %convert_element_type3A_420, %dot_general3A_464 {dimension_numbers = #tpu.dot_dimension_numbers<[1], [0], [0], [1], [0, 0, 1, 1], [], []>, transpose_lhs_hint = false} : vector<128x6144xbf16>, vector<6144x128xbf16>, vector<128x128xf32> -> vector<128x128xf32>
      %swap3A_466 = arith.constant 640 : index
      %swap3A_467 = arith.constant 0 : index
      %swap3A_468 = vector.load %arg19[%swap3A_466, %swap3A_467] : memref<2048x128xf32, #tpu.memory_space<vmem>>, vector<128x128xf32>
      tpu.vector_store %arg19[%swap3A_466, %swap3A_467], %dot_general3A_465 {strides = array<i32>} : memref<2048x128xf32, #tpu.memory_space<vmem>>, vector<128x128xf32>,
      %get3A_469 = arith.constant 768 : index
      %get3A_470 = arith.constant 0 : index
      %get3A_471 = vector.load %arg17[%get3A_469, %get3A_470] : memref<2048x6144xbf16, #tpu.memory_space<vmem>>, vector<128x6144xbf16>
      %dot_general3A_472 = arith.constant dense<0.000000e+00> : vector<128x128xf32>
      %dot_general3A_473 = tpu.matmul %get3A_471, %convert_element_type3A_420, %dot_general3A_472 {dimension_numbers = #tpu.dot_dimension_numbers<[1], [0], [0], [1], [0, 0, 1, 1], [], []>, transpose_lhs_hint = false} : vector<128x6144xbf16>, vector<6144x128xbf16>, vector<128x128xf32> -> vector<128x128xf32>
      %swap3A_474 = arith.constant 768 : index
      %swap3A_475 = arith.constant 0 : index
      %swap3A_476 = vector.load %arg19[%swap3A_474, %swap3A_475] : memref<2048x128xf32, #tpu.memory_space<vmem>>, vector<128x128xf32>
      tpu.vector_store %arg19[%swap3A_474, %swap3A_475], %dot_general3A_473 {strides = array<i32>} : memref<2048x128xf32, #tpu.memory_space<vmem>>, vector<128x128xf32>,
      %get3A_477 = arith.constant 896 : index
      %get3A_478 = arith.constant 0 : index
      %get3A_479 = vector.load %arg17[%get3A_477, %get3A_478] : memref<2048x6144xbf16, #tpu.memory_space<vmem>>, vector<128x6144xbf16>
      %dot_general3A_480 = arith.constant dense<0.000000e+00> : vector<128x128xf32>
      %dot_general3A_481 = tpu.matmul %get3A_479, %convert_element_type3A_420, %dot_general3A_480 {dimension_numbers = #tpu.dot_dimension_numbers<[1], [0], [0], [1], [0, 0, 1, 1], [], []>, transpose_lhs_hint = false} : vector<128x6144xbf16>, vector<6144x128xbf16>, vector<128x128xf32> -> vector<128x128xf32>
      %swap3A_482 = arith.constant 896 : index
      %swap3A_483 = arith.constant 0 : index
      %swap3A_484 = vector.load %arg19[%swap3A_482, %swap3A_483] : memref<2048x128xf32, #tpu.memory_space<vmem>>, vector<128x128xf32>
      tpu.vector_store %arg19[%swap3A_482, %swap3A_483], %dot_general3A_481 {strides = array<i32>} : memref<2048x128xf32, #tpu.memory_space<vmem>>, vector<128x128xf32>,
      %get3A_485 = arith.constant 1024 : index
      %get3A_486 = arith.constant 0 : index
      %get3A_487 = vector.load %arg17[%get3A_485, %get3A_486] : memref<2048x6144xbf16, #tpu.memory_space<vmem>>, vector<128x6144xbf16>
      %dot_general3A_488 = arith.constant dense<0.000000e+00> : vector<128x128xf32>
      %dot_general3A_489 = tpu.matmul %get3A_487, %convert_element_type3A_420, %dot_general3A_488 {dimension_numbers = #tpu.dot_dimension_numbers<[1], [0], [0], [1], [0, 0, 1, 1], [], []>, transpose_lhs_hint = false} : vector<128x6144xbf16>, vector<6144x128xbf16>, vector<128x128xf32> -> vector<128x128xf32>
      %swap3A_490 = arith.constant 1024 : index
      %swap3A_491 = arith.constant 0 : index
      %swap3A_492 = vector.load %arg19[%swap3A_490, %swap3A_491] : memref<2048x128xf32, #tpu.memory_space<vmem>>, vector<128x128xf32>
      tpu.vector_store %arg19[%swap3A_490, %swap3A_491], %dot_general3A_489 {strides = array<i32>} : memref<2048x128xf32, #tpu.memory_space<vmem>>, vector<128x128xf32>,
      %get3A_493 = arith.constant 1152 : index
      %get3A_494 = arith.constant 0 : index
      %get3A_495 = vector.load %arg17[%get3A_493, %get3A_494] : memref<2048x6144xbf16, #tpu.memory_space<vmem>>, vector<128x6144xbf16>
      %dot_general3A_496 = arith.constant dense<0.000000e+00> : vector<128x128xf32>
      %dot_general3A_497 = tpu.matmul %get3A_495, %convert_element_type3A_420, %dot_general3A_496 {dimension_numbers = #tpu.dot_dimension_numbers<[1], [0], [0], [1], [0, 0, 1, 1], [], []>, transpose_lhs_hint = false} : vector<128x6144xbf16>, vector<6144x128xbf16>, vector<128x128xf32> -> vector<128x128xf32>
      %swap3A_498 = arith.constant 1152 : index
      %swap3A_499 = arith.constant 0 : index
      %swap3A_500 = vector.load %arg19[%swap3A_498, %swap3A_499] : memref<2048x128xf32, #tpu.memory_space<vmem>>, vector<128x128xf32>
      tpu.vector_store %arg19[%swap3A_498, %swap3A_499], %dot_general3A_497 {strides = array<i32>} : memref<2048x128xf32, #tpu.memory_space<vmem>>, vector<128x128xf32>,
      %get3A_501 = arith.constant 1280 : index
      %get3A_502 = arith.constant 0 : index
      %get3A_503 = vector.load %arg17[%get3A_501, %get3A_502] : memref<2048x6144xbf16, #tpu.memory_space<vmem>>, vector<128x6144xbf16>
      %dot_general3A_504 = arith.constant dense<0.000000e+00> : vector<128x128xf32>
      %dot_general3A_505 = tpu.matmul %get3A_503, %convert_element_type3A_420, %dot_general3A_504 {dimension_numbers = #tpu.dot_dimension_numbers<[1], [0], [0], [1], [0, 0, 1, 1], [], []>, transpose_lhs_hint = false} : vector<128x6144xbf16>, vector<6144x128xbf16>, vector<128x128xf32> -> vector<128x128xf32>
      %swap3A_506 = arith.constant 1280 : index
      %swap3A_507 = arith.constant 0 : index
      %swap3A_508 = vector.load %arg19[%swap3A_506, %swap3A_507] : memref<2048x128xf32, #tpu.memory_space<vmem>>, vector<128x128xf32>
      tpu.vector_store %arg19[%swap3A_506, %swap3A_507], %dot_general3A_505 {strides = array<i32>} : memref<2048x128xf32, #tpu.memory_space<vmem>>, vector<128x128xf32>,
      %get3A_509 = arith.constant 1408 : index
      %get3A_510 = arith.constant 0 : index
      %get3A_511 = vector.load %arg17[%get3A_509, %get3A_510] : memref<2048x6144xbf16, #tpu.memory_space<vmem>>, vector<128x6144xbf16>
      %dot_general3A_512 = arith.constant dense<0.000000e+00> : vector<128x128xf32>
      %dot_general3A_513 = tpu.matmul %get3A_511, %convert_element_type3A_420, %dot_general3A_512 {dimension_numbers = #tpu.dot_dimension_numbers<[1], [0], [0], [1], [0, 0, 1, 1], [], []>, transpose_lhs_hint = false} : vector<128x6144xbf16>, vector<6144x128xbf16>, vector<128x128xf32> -> vector<128x128xf32>
      %swap3A_514 = arith.constant 1408 : index
      %swap3A_515 = arith.constant 0 : index
      %swap3A_516 = vector.load %arg19[%swap3A_514, %swap3A_515] : memref<2048x128xf32, #tpu.memory_space<vmem>>, vector<128x128xf32>
      tpu.vector_store %arg19[%swap3A_514, %swap3A_515], %dot_general3A_513 {strides = array<i32>} : memref<2048x128xf32, #tpu.memory_space<vmem>>, vector<128x128xf32>,
      %get3A_517 = arith.constant 1536 : index
      %get3A_518 = arith.constant 0 : index
      %get3A_519 = vector.load %arg17[%get3A_517, %get3A_518] : memref<2048x6144xbf16, #tpu.memory_space<vmem>>, vector<128x6144xbf16>
      %dot_general3A_520 = arith.constant dense<0.000000e+00> : vector<128x128xf32>
      %dot_general3A_521 = tpu.matmul %get3A_519, %convert_element_type3A_420, %dot_general3A_520 {dimension_numbers = #tpu.dot_dimension_numbers<[1], [0], [0], [1], [0, 0, 1, 1], [], []>, transpose_lhs_hint = false} : vector<128x6144xbf16>, vector<6144x128xbf16>, vector<128x128xf32> -> vector<128x128xf32>
      %swap3A_522 = arith.constant 1536 : index
      %swap3A_523 = arith.constant 0 : index
      %swap3A_524 = vector.load %arg19[%swap3A_522, %swap3A_523] : memref<2048x128xf32, #tpu.memory_space<vmem>>, vector<128x128xf32>
      tpu.vector_store %arg19[%swap3A_522, %swap3A_523], %dot_general3A_521 {strides = array<i32>} : memref<2048x128xf32, #tpu.memory_space<vmem>>, vector<128x128xf32>,
      %get3A_525 = arith.constant 1664 : index
      %get3A_526 = arith.constant 0 : index
      %get3A_527 = vector.load %arg17[%get3A_525, %get3A_526] : memref<2048x6144xbf16, #tpu.memory_space<vmem>>, vector<128x6144xbf16>
      %dot_general3A_528 = arith.constant dense<0.000000e+00> : vector<128x128xf32>
      %dot_general3A_529 = tpu.matmul %get3A_527, %convert_element_type3A_420, %dot_general3A_528 {dimension_numbers = #tpu.dot_dimension_numbers<[1], [0], [0], [1], [0, 0, 1, 1], [], []>, transpose_lhs_hint = false} : vector<128x6144xbf16>, vector<6144x128xbf16>, vector<128x128xf32> -> vector<128x128xf32>
      %swap3A_530 = arith.constant 1664 : index
      %swap3A_531 = arith.constant 0 : index
      %swap3A_532 = vector.load %arg19[%swap3A_530, %swap3A_531] : memref<2048x128xf32, #tpu.memory_space<vmem>>, vector<128x128xf32>
      tpu.vector_store %arg19[%swap3A_530, %swap3A_531], %dot_general3A_529 {strides = array<i32>} : memref<2048x128xf32, #tpu.memory_space<vmem>>, vector<128x128xf32>,
      %get3A_533 = arith.constant 1792 : index
      %get3A_534 = arith.constant 0 : index
      %get3A_535 = vector.load %arg17[%get3A_533, %get3A_534] : memref<2048x6144xbf16, #tpu.memory_space<vmem>>, vector<128x6144xbf16>
      %dot_general3A_536 = arith.constant dense<0.000000e+00> : vector<128x128xf32>
      %dot_general3A_537 = tpu.matmul %get3A_535, %convert_element_type3A_420, %dot_general3A_536 {dimension_numbers = #tpu.dot_dimension_numbers<[1], [0], [0], [1], [0, 0, 1, 1], [], []>, transpose_lhs_hint = false} : vector<128x6144xbf16>, vector<6144x128xbf16>, vector<128x128xf32> -> vector<128x128xf32>
      %swap3A_538 = arith.constant 1792 : index
      %swap3A_539 = arith.constant 0 : index
      %swap3A_540 = vector.load %arg19[%swap3A_538, %swap3A_539] : memref<2048x128xf32, #tpu.memory_space<vmem>>, vector<128x128xf32>
      tpu.vector_store %arg19[%swap3A_538, %swap3A_539], %dot_general3A_537 {strides = array<i32>} : memref<2048x128xf32, #tpu.memory_space<vmem>>, vector<128x128xf32>,
      %get3A_541 = arith.constant 1920 : index
      %get3A_542 = arith.constant 0 : index
      %get3A_543 = vector.load %arg17[%get3A_541, %get3A_542] : memref<2048x6144xbf16, #tpu.memory_space<vmem>>, vector<128x6144xbf16>
      %dot_general3A_544 = arith.constant dense<0.000000e+00> : vector<128x128xf32>
      %dot_general3A_545 = tpu.matmul %get3A_543, %convert_element_type3A_420, %dot_general3A_544 {dimension_numbers = #tpu.dot_dimension_numbers<[1], [0], [0], [1], [0, 0, 1, 1], [], []>, transpose_lhs_hint = false} : vector<128x6144xbf16>, vector<6144x128xbf16>, vector<128x128xf32> -> vector<128x128xf32>
      %swap3A_546 = arith.constant 1920 : index
      %swap3A_547 = arith.constant 0 : index
      %swap3A_548 = vector.load %arg19[%swap3A_546, %swap3A_547] : memref<2048x128xf32, #tpu.memory_space<vmem>>, vector<128x128xf32>
      tpu.vector_store %arg19[%swap3A_546, %swap3A_547], %dot_general3A_545 {strides = array<i32>} : memref<2048x128xf32, #tpu.memory_space<vmem>>, vector<128x128xf32>,
      %get3A_549 = arith.constant 0 : index
      %get3A_550 = arith.constant 0 : index
      %get3A_551 = vector.load %arg19[%get3A_549, %get3A_550] : memref<2048x128xf32, #tpu.memory_space<vmem>>, vector<2048x128xf32>
      %get3A_552 = arith.constant 0 : index
      %get3A_553 = arith.constant 0 : index
      %get3A_554 = vector.load %arg15[%get3A_552, %get3A_553] : memref<1x128xf32, #tpu.memory_space<vmem>>, vector<1x128xf32>
      %add3A_555 = vector.broadcast %get3A_554 : vector<1x128xf32> to vector<2048x128xf32>
      %add3A_556 = arith.addf %get3A_551, %add3A_555 : vector<2048x128xf32>
      %mul3A_557 = vector.broadcast %get3A_94 : vector<2048x1xf32> to vector<2048x128xf32>
      %mul3A_558 = arith.mulf %add3A_556, %mul3A_557 : vector<2048x128xf32>
      %slice3A = vector.extract_strided_slice %mul3A_558 {offsets = [0, 0], sizes = [2048, 2], strides = [1, 1]} : vector<2048x128xf32> to vector<2048x2xf32>
      %swap3A_559 = arith.constant 0 : index
      %swap3A_560 = arith.constant 0 : index
      %swap3A_561 = arith.constant 0 : index
      %swap3A_562 = vector.load %arg16[%swap3A_559, %swap3A_560, %swap3A_561] : memref<1x2048x2xf32, #tpu.memory_space<vmem>>, vector<1x2048x2xf32>
      %swap3A_563 = vector.shape_cast %swap3A_562 : vector<1x2048x2xf32> to vector<2048x2xf32>
      %swap3A_564 = vector.shape_cast %slice3A : vector<2048x2xf32> to vector<1x2048x2xf32>
      tpu.vector_store %arg16[%swap3A_559, %swap3A_560, %swap3A_561], %swap3A_564 {strides = array<i32>} : memref<1x2048x2xf32, #tpu.memory_space<vmem>>, vector<1x2048x2xf32>,
    } else {
    }
    return
  }
  func.func @transform_0(%arg0: i32, %arg1: i32) -> (i32, i32, i32) {
    %mul3A = arith.constant 4 : i32
    %mul3A_0 = arith.muli %arg1, %mul3A : i32
    %add3A = arith.constant 0 : i32
    %add3A_1 = arith.addi %mul3A_0, %add3A : i32
    %c0_i32 = arith.constant 0 : i32
    %c0_i32_2 = arith.constant 0 : i32
    return %arg0, %add3A_1, %c0_i32 : i32, i32, i32
  }
  func.func @transform_1(%arg0: i32, %arg1: i32) -> (i32, i32, i32) {
    %mul3A = arith.constant 4 : i32
    %mul3A_0 = arith.muli %arg1, %mul3A : i32
    %add3A = arith.constant 1 : i32
    %add3A_1 = arith.addi %mul3A_0, %add3A : i32
    %c0_i32 = arith.constant 0 : i32
    %c0_i32_2 = arith.constant 0 : i32
    return %arg0, %add3A_1, %c0_i32 : i32, i32, i32
  }
  func.func @transform_2(%arg0: i32, %arg1: i32) -> (i32, i32, i32) {
    %mul3A = arith.constant 4 : i32
    %mul3A_0 = arith.muli %arg1, %mul3A : i32
    %add3A = arith.constant 2 : i32
    %add3A_1 = arith.addi %mul3A_0, %add3A : i32
    %c0_i32 = arith.constant 0 : i32
    %c0_i32_2 = arith.constant 0 : i32
    return %arg0, %add3A_1, %c0_i32 : i32, i32, i32
  }
  func.func @transform_3(%arg0: i32, %arg1: i32) -> (i32, i32, i32) {
    %mul3A = arith.constant 4 : i32
    %mul3A_0 = arith.muli %arg1, %mul3A : i32
    %add3A = arith.constant 3 : i32
    %add3A_1 = arith.addi %mul3A_0, %add3A : i32
    %c0_i32 = arith.constant 0 : i32
    %c0_i32_2 = arith.constant 0 : i32
    return %arg0, %add3A_1, %c0_i32 : i32, i32, i32
  }
  func.func @transform_4(%arg0: i32, %arg1: i32) -> (i32, i32, i32) {
    %c0_i32 = arith.constant 0 : i32
    %c0_i32_0 = arith.constant 0 : i32
    %c0_i32_1 = arith.constant 0 : i32
    %c0_i32_2 = arith.constant 0 : i32
    return %c0_i32, %c0_i32_0, %c0_i32_1 : i32, i32, i32
  }
  func.func @transform_5(%arg0: i32, %arg1: i32) -> (i32, i32, i32) {
    %c0_i32 = arith.constant 0 : i32
    %c0_i32_0 = arith.constant 0 : i32
    %c0_i32_1 = arith.constant 0 : i32
    %c0_i32_2 = arith.constant 0 : i32
    return %c0_i32, %c0_i32_0, %c0_i32_1 : i32, i32, i32
  }
  func.func @transform_6(%arg0: i32, %arg1: i32) -> (i32, i32) {
    %c0_i32 = arith.constant 0 : i32
    %c0_i32_0 = arith.constant 0 : i32
    %c0_i32_1 = arith.constant 0 : i32
    return %c0_i32, %c0_i32_0 : i32, i32
  }
  func.func @transform_7(%arg0: i32, %arg1: i32) -> (i32, i32) {
    %c0_i32 = arith.constant 0 : i32
    %c0_i32_0 = arith.constant 0 : i32
    %c0_i32_1 = arith.constant 0 : i32
    return %c0_i32, %c0_i32_0 : i32, i32
  }
  func.func @transform_8(%arg0: i32, %arg1: i32) -> (i32, i32) {
    %c0_i32 = arith.constant 0 : i32
    %c0_i32_0 = arith.constant 0 : i32
    %c0_i32_1 = arith.constant 0 : i32
    return %c0_i32, %c0_i32_0 : i32, i32
  }
  func.func @transform_9(%arg0: i32, %arg1: i32) -> (i32, i32) {
    %c0_i32 = arith.constant 0 : i32
    %c0_i32_0 = arith.constant 0 : i32
    %c0_i32_1 = arith.constant 0 : i32
    return %c0_i32, %c0_i32_0 : i32, i32
  }
  func.func @transform_10(%arg0: i32, %arg1: i32) -> (i32, i32) {
    %c0_i32 = arith.constant 0 : i32
    %c0_i32_0 = arith.constant 0 : i32
    %c0_i32_1 = arith.constant 0 : i32
    return %c0_i32, %c0_i32_0 : i32, i32
  }
  func.func @transform_11(%arg0: i32, %arg1: i32) -> (i32, i32) {
    %c0_i32 = arith.constant 0 : i32
    %c0_i32_0 = arith.constant 0 : i32
    %c0_i32_1 = arith.constant 0 : i32
    return %c0_i32, %c0_i32_0 : i32, i32
  }
  func.func @transform_12(%arg0: i32, %arg1: i32) -> (i32, i32) {
    %c0_i32 = arith.constant 0 : i32
    %c0_i32_0 = arith.constant 0 : i32
    %c0_i32_1 = arith.constant 0 : i32
    return %c0_i32, %c0_i32_0 : i32, i32
  }
  func.func @transform_13(%arg0: i32, %arg1: i32) -> (i32, i32) {
    %c0_i32 = arith.constant 0 : i32
    %c0_i32_0 = arith.constant 0 : i32
    %c0_i32_1 = arith.constant 0 : i32
    return %c0_i32, %c0_i32_0 : i32, i32
  }
  func.func @transform_14(%arg0: i32, %arg1: i32) -> (i32, i32, i32) {
    %c0_i32 = arith.constant 0 : i32
    %c0_i32_0 = arith.constant 0 : i32
    %c0_i32_1 = arith.constant 0 : i32
    return %arg0, %c0_i32, %c0_i32_0 : i32, i32, i32
  }
}

</mosaic_0001>

<sc_bundles>
// kernel: sparse-core-data-format-call.cloned.1.call-start
scs
called_computation_lowered:
.L_overlay_start_0:
0x0: {  	s1 =	sld [smem:$0x3FD9]  }
0x1: {  	s2 =	sld [smem:$0x3FFE];
	_ =	sdelay $0x1  }
0x2: {  	s3 =	srdreg.scid  }
0x3: {  	s0 =	sand.u32 $0x1, s3  }
0x4: {  	s17 =	sshll.u32 s0, $0xA;
	s1 =	sadd.s32 s2, s1  }
0x5: {  	s1 =	sadd.s32 s1, s17  }
0x6: {  	[smem:$0x3FB7] =	sst s1  }
0x7: {  	_ = 	snop  }
0x8: {  	(tm) =	ssettm $0x1  }
0x9: {  	s18 =	sld [smem:$0x3FFB];
	_ =	sdelay $0x3  }
0xa: {  	_ =	strace s18  }
0xb: {  	s1 =	sld [smem:$0x3FFC];
	_ =	sdelay $0x3  }
0xc: {  	_ =	strace s1  }
0xd: {  	s1 =	sld [smem:$0x3FFD];
	_ =	sdelay $0x3  }
0xe: {  	_ =	strace s1  }
0xf: {  	_ =	strace $0x8FFFFFFF  }
0x10: {  	s19 =	sld [smem:$0x3FDB];
	_ =	sdelay $0x1  }
0x11: {  	s20 =	simm.s32 $_scs_section_size  }
0x12: {  	s4 =	simm.s32 $_size__tile_overlayer_lowered;
	s5 =	simm.s32 $_tile_overlayer_lowered  }
0x13: {  	s23 =	simm.s32 $0x1BFF;
	s22 =	sshll.u32 s5, $0x1;
	s1 =	sadd.s32 s20, s19  }
0x14: {  	s6 =	simm.s32 $0x0;
	s21 =	sshll.u32 s4, $0x1;
	s4 =	sadd.s32 s22, s1  }
0x15: {  	[timem:s6], [sflag:s23] =	dma.local [hbm:s4], s21  }
0x16: {  	_ =	swait.ge [sflag:s23], s21  }
0x17: {  	s2 =	ssub.s32 $0x0, s21;
	[sflag:s23] =	ssyncset.done $0x0  }
0x18: {  	[sflag:s23] =	ssyncadd.s32 s2;
	_ =	sdelay $0x1  }
0x19: {  	s24 =	simm.s32 $0x1B8B  }
0x1a: {  	_ =	swait.ge [sflag:s24], $0x1  }
0x1b: {  	[sflag:s24] =	ssyncset.done $0x0  }
0x1c: {  	s26 =	simm.s32 $0x1B8E;
	s25 =	sld [smem:$0x3FFE];
	[sflag:s24] =	ssyncadd.s32 $0xFFFFFFFF  }
0x1d: {  	s27 =	simm.s32 $execute0_lowered;
	[smem:$0x3FD2] =	sst s26  }
0x1e: {  	s4 =	sshll.u32 s27, $0x1;
	_ =	strace $0x80000046;
	[dreg:$0x1] =	wrdreg $0xFFFFFFFF  }
0x1f: {  	s28 =	simm.s32 $_size_execute0_lowered;
	s1 =	sadd.s32 s1, s4;
	[dreg:$0x0] =	wrdreg $0x0  }
0x20: {  	s4 =	sshll.u32 s28, $0x1;
	[dreg:$0x2] =	wrdreg s1  }
0x21: {  	[dreg:$0x3] =	wrdreg s4  }
0x22: {  	[dreg:$0x4] =	wrdreg $0xC0  }
0x23: {  	_ =	task [dreg:s6], $0x5FFFF  }
0x24: {  	[dreg:$0x1] =	wrdreg $0xFFFFFFFF  }
0x25: {  	[dreg:$0x0] =	wrdreg $0x60  }
0x26: {  	[dreg:$0x2] =	wrdreg s25  }
0x27: {  	[dreg:$0x3] =	wrdreg $0x9  }
0x28: {  	_ =	task.clear_ibuf [dreg:s6], $0x4FFFF;
	_ =	strace $0x90000046  }
0x29: {  	s29 =	simm.s32 $0x9;
	_ =	strace $0x80000048  }
0x2a: {  	_ =	swait.ge [sflag:s29], $0x1  }
0x2b: {  	[sflag:s29] =	ssyncadd.s32 $0xFFFFFFFF  }
0x2c: {  	_ =	strace $0x90000048  }
0x2d: {  	_ =	sfence  }
0x2e: {  	s30 =	sld [smem:$0x0];
	_ =	sdelay $0x2  }
0x2f: {  	s31 =	sshll.u32 s3, $0xD;
	s3 =	sshrl.u32 s3, $0x2  }
0x30: {  	s2 =	sand.u32 $0x4000, s31;
	s1 =	sadd.s32 s3, s30  }
0x31: {  	s0 =	sor.u32 s2, s0;
	s1 =	sshll.u32 s1, $0x11  }
0x32: {  	s0 =	sor.u32 s1, s0  }
0x33: {  	s0 =	sadd.s32 $0x8F2B, s0  }
0x34: {  	[sflag:s0] =	ssyncadd.remote.s32 $0x1  }
0x35: {  	_ =	sfence.sel $0xFFFF  }
0x36: {  	[dreg:$0x0] =	wrdreg $0xFFFFFFFF;
	(pc) =	sbr.abs _section_cstart, $3  }
0x37: {  	[dreg:$0x1] =	wrdreg $0xFFFFFFFF  }
0x38: {  	_ =	task.clear_ibuf [dreg:s6], $0x2FFFF;
	_ =	strace $0x9FFFFFFF  }
0x39: {  	(tm) =	ssettm $0x7FFFFFFF  }
tec
execute0_lowered:
.L_overlay_start_1:
0x0: {  	(tag) =	ssettag $0x1  }
0x1: {  	s0 =	stileid.u32;
	s2 =	srdreg.scid  }
0x2: {  	s8 =	rddreg [dreg:$0x0];
	s9 =	simm.s32 $0x2;
	s17 =	simm.s32 $0x0  }
0x3: {  	s10 =	simm.s32 $0x1800;
	s1 =	sshll.u32 s0, $0x7;
	s2 =	sshll.u32 s2, $0x7  }
0x4: {  	s16 =	simm.s32 $0x0;
	s2 =	sand.u32 $0x80, s2;
	s3 =	ssub.s32 $0x800, s1  }
0x5: {  	s4 =	sshrl.u32 s3, $0xB;
	s3 =	sand.u32 $0x780, s3;
	s5 =	ssub.s32 $0x800, s2  }
0x6: {  	p0 =	sne.s32 s3, $0x0;
	s3 =	simm.s32 $0x1;
	s6 =	sshrl.u32 s5, $0x7  }
0x7: {  	s5 =	sshrl.u32 s5, $0x8;
	s3 =	simm.s32 @!p0 $0x0;
	s6 =	sand.u32 $0x1, s6  }
0x8: {  	s18 =	simm.s32 $0x0;
	s4 =	sadd.s32 s3, s4;
	s5 =	sadd.s32 s5, s6  }
0x9: {  	s14 =	simm.s32 $0x0;
	s11 =	simm.s32 $0x0;
	s6 =	smul.u32 s5, s4  }
.Ltmp0:
0xa: {  	s15 =	simm.s32 $0x0;
	s7 =	sadd.s32 $0x182800, s8;
	(pc) =	sbr.rel .LBB1_1-.Ltmp0, $4  }
0xb: {  	s13 =	smov.u32 s1;
	s12 =	smov.u32 s2;
	s3 =	rddreg [dreg:$0x1]  }
0xc: {  	_ =	strace $0x80000047;
	s5 =	simm.s32 $0x1;
	s6 =	smul.u32 $0x3, s6  }
0xd: {  	p0 =	por $0x0, $0x0;
	s4 =	sadd.s32 $0x2800, s8;
	[sflag:s5] =	ssyncpa.u1 $0x0  }
0xe: {  	s8 =	sadd.s32 $0xC2800, s8;
	[sflag:s9] =	ssyncpa.u1 $0x0;
	s9 =	sadd.s32 $0x1, s6  }
.LBB1_4:
0xf: {  	[tilespmem:s19+$0x1830 ss:$0x81] =	vst.msk $0xffff, v13;
	v7 =	vpack.i.b32.b16 v9, v7  }
0x10: {  	v49 =	vpack.i.b32.b16 v12, v10;
	[tilespmem:s19+$0x1831 ss:$0x81] =	vst.msk $0xffff, v7  }
0x11: {  	v50 =	vunpack.i.l.s16.s32 v4;
	v51 =	vunpack.i.l.s16.s32 v5;
	v52 =	vpack.i.b32.b16 v11, v8;
	[tilespmem:s19+$0x2040 ss:$0x81] =	vst.msk $0xffff, v49  }
0x12: {  	v56 =	vunpack.i.l.s16.s32 v6;
	v55 =	vpack.i.b32.b16 v51, v50;
	[tilespmem:s19+$0x2041 ss:$0x81] =	vst.msk $0xffff, v52  }
0x13: {  	v58 =	vunpack.i.l.s16.s32 v2;
	v59 =	vunpack.i.l.s16.s32 v3;
	v1 =	vpack.i.b32.b16 v1, v56;
	[tilespmem:s19+$0x2850 ss:$0x81] =	vst.msk $0xffff, v55  }
0x14: {  	v53 =	vunpack.i.u.s16.s32 v4;
	v54 =	vunpack.i.u.s16.s32 v5;
	s17 =	smul.u32 $0x300, s17;
	s18 =	sshll.u32 s18, $0x8;
	v62 =	vpack.i.b32.b16 v59, v58;
	[tilespmem:s19+$0x0 ss:$0x81] =	vst.msk $0xffff, v1  }
0x15: {  	v57 =	vunpack.i.u.s16.s32 v6;
	s29 =	sshrl.u32 s16, $0x3;
	v4 =	vpack.i.b32.b16 v54, v53;
	s18 =	sadd.s32 s7, s18;
	[tilespmem:s21+$0x3060 ss:$0x81] =	vst.msk $0xffff, v62  }
0x16: {  	v60 =	vunpack.i.u.s16.s32 v2;
	v61 =	vunpack.i.u.s16.s32 v3;
	s31 =	sand.u32 $0x7, s16;
	v0 =	vpack.i.b32.b16 v0, v57;
	s30 =	sand.u32 $0x80, s29;
	s17 =	sadd.s32 s17, s18;
	[tilespmem:s19+$0x2851 ss:$0x81] =	vst.msk $0xffff, v4  }
0x17: {  	v63 =	vpack.i.b32.b16 v61, v60;
	s16 =	sshll.u32 s31, $0x12;
	[tilespmem:s21+$0x1 ss:$0x81] =	vst.msk $0xffff, v0;
	s19 =	sand.u32 $0x7F, s29;
	s17 =	sadd.s32 s30, s17  }
0x18: {  	s16 =	sor.u32 $0x80, s16;
	[tilespmem:s21+$0x3061 ss:$0x81] =	vst.msk $0xffff, v63;
	s17 =	sadd.s32 s19, s17  }
0x19: {  	[hbm4b:s17+s16] =	stream.strided.scatter [tilespmem:s20], [sflag:$0x2], $0x4000, s10, s16, $0x20;
	[tilespmem:$0x10100] =	vst v63  }
.LBB1_5:
0x1a: {  	s19 =	sadd.s32 $0x100, s12;
	s16 =	sadd.s32 $0x800, s13  }
0x1b: {  	s20 =	smov.u32 s13;
	p1 =	slt.u32 s15, $0x2;
	s17 =	smov.u32 s12  }
0x1c: {  	s18 =	smov.u32 s14;
	p0 =	por !p0, !p0;
	p2 =	sgt.s32 s19, $0x7FF  }
0x1d: {  	s22 =	simm.s32 @!p1 $0x2;
	s20 =	smov.u32 @p2 s16;
	s16 =	simm.s32 $0x1  }
0x1e: {  	s19 =	smov.u32 @p2 s2;
	_ =	swait.ge @!p1 [sflag:s22], $0x4000;
	p3 =	sgt.s32 s20, $0x7FF  }
0x1f: {  	s16 =	simm.s32 @!p3 $0x0;
	s20 =	smov.u32 @p3 s1;
	p3 =	sne.s32 s15, s9  }
.Ltmp1:
0x20: {  	[sflag:s22] =	ssyncset.done @!p1 $0x0;
	s21 =	sadd.s32 s16, s14;
	(pc) =	sbr.rel @!p3 .LBB1_6-.Ltmp1, $4  }
0x21: {  	s12 =	smov.u32 s19;
	s16 =	sadd.s32 $0x2, s11;
	p4 =	sgt.s32 s21, $0x2  }
0x22: {  	s15 =	sadd.s32 $0x1, s15;
	[sflag:s22] =	ssyncadd.s32 @!p1 $0xFFFFC000;
	s11 =	smov.u32 @p4 s16  }
0x23: {  	s21 =	simm.s32 @p4 $0x0;
	s16 =	smov.u32 s13;
	p2 =	sgt.s32 s11, $0x1  }
0x24: {  	s13 =	smov.u32 s20;
	s14 =	smov.u32 s21;
	s11 =	simm.s32 @p2 $0x0  }
.LBB1_1:
0x25: {  	p1 =	sge.u32 s15, s6  }
0x26: {  	s19 =	sshll.u32 @!p1 s13, $0xB;
	s20 =	sshll.u32 @!p1 s12, $0x3;
	s21 =	sxor.u32 @!p1 $0xFFFFFFFF, s15  }
0x27: {  	s22 =	sshll.u32 @!p1 s13, $0x7;
	s23 =	sshll.u32 @!p1 s12, $0x1;
	s24 =	smul.u32 @!p1 $0xC0000, s11  }
0x28: {  	s25 =	sshll.u32 @!p1 s14, $0x12;
	s26 =	simm.s32 @!p1 $0x2000;
	s19 =	sand.u32 @!p1 $0x3FC000, s19  }
0x29: {  	s22 =	sand.u32 @!p1 $0x300, s22;
	s19 =	sadd.s32 @!p1 s19, s20;
	s20 =	sand.u32 @!p1 $0x400, s20  }
0x2a: {  	s23 =	sand.u32 @!p1 $0xF0, s23;
	s21 =	sshll.u32 @!p1 s21, $0xE;
	s20 =	sor.u32 @!p1 s22, s20  }
0x2b: {  	s19 =	sshrl.u32 @!p1 s19, $0x4;
	s22 =	sadd.s32 @!p1 s24, s25;
	s20 =	sor.u32 @!p1 s23, s20  }
0x2c: {  	s19 =	sand.u32 @!p1 $0x3FF80, s19;
	s22 =	sadd.s32 @!p1 s4, s22;
	s23 =	sand.u32 @!p1 $0x7, s12  }
0x2d: {  	s20 =	sshrl.u32 @!p1 s20, $0x4;
	s22 =	sadd.s32 @!p1 s19, s22;
	s23 =	sshll.u32 @!p1 s23, $0x12  }
0x2e: {  	s21 =	sand.u32 @!p1 $0x4000, s21;
	s22 =	sadd.s32 @!p1 s20, s22;
	s23 =	sor.u32 @!p1 $0x200, s23  }
0x2f: {  	[tilespmem:s21], [sflag:$0x1] =	stream.strided.gather @!p1 [hbm4b:s22+s23], $0x2000, s26, s23, $0x38;
	[tilespmem:$0x10100] =	vst v63  }
0x30: {  	s22 =	sadd.s32 @!p1 s24, s8  }
0x31: {  	s22 =	sadd.s32 @!p1 s25, s22  }
0x32: {  	s19 =	sadd.s32 @!p1 s19, s22  }
0x33: {  	s31 =	sadd.s32 $0xFFFFFFFF, s15;
	s19 =	sadd.s32 @!p1 s20, s19;
	s20 =	sor.u32 @!p1 $0x2000, s21  }
0x34: {  	[tilespmem:s20], [sflag:$0x1] =	stream.strided.gather @!p1 [hbm4b:s19+s23], $0x2000, s26, s23, $0x38;
	[tilespmem:$0x10100] =	vst v63  }
0x35: {  	p1 =	sge.u32 s31, s6  }
.Ltmp2:
0x36: {  	_ = 	snop;
	(pc) =	sbr.rel @p1 .LBB1_5-.Ltmp2, $1  }
0x37: {  	_ =	sdelay $0x3  }
0x38: {  	s19 =	simm.s32 $0x1  }
0x39: {  	_ =	swait.ge [sflag:s5], $0x4000;
	s19 =	simm.s32 @!p0 $0x0  }
0x3a: {  	[sflag:s5] =	ssyncset.done $0x0;
	s20 =	sshll.u32 s19, $0xE  }
0x3b: {  	[sflag:s5] =	ssyncadd.s32 $0xFFFFC000;
	s21 =	sor.u32 $0x2000, s20  }
0x3c: {  	v0 =	vld [tilespmem:s21+$0xFFFFE070]  }
0x3d: {  	v1 =	vld [tilespmem:s21+$0x70]  }
0x3e: {  	v2 =	vld [tilespmem:s21+$0x0]  }
0x3f: {  	v3 =	vld [tilespmem:s21+$0xFFFFE010]  }
0x40: {  	v5 =	vld [tilespmem:s21+$0xFFFFE020]  }
0x41: {  	v4 =	vld [tilespmem:s21+$0x10]  }
0x42: {  	v6 =	vld [tilespmem:s21+$0x20]  }
0x43: {  	s19 =	smul.u32 $0x10200, s19;
	v9 =	vld [tilespmem:s21+$0xFFFFE030];
	v7 =	vunpack.i.l.s16.s32 v0;
	v8 =	vunpack.i.l.s16.s32 v1  }
0x44: {  	v10 =	vunpack.i.u.s16.s32 v0;
	v11 =	vunpack.i.u.s16.s32 v1;
	v0 =	vunpack.i.u.s16.s32 v2  }
0x45: {  	s19 =	sshrl.u32 s19, $0x2;
	v1 =	vunpack.i.l.s16.s32 v2;
	v2 =	vld [tilespmem:s21+$0x30];
	v13 =	vunpack.i.u.s16.s32 v5;
	v14 =	vunpack.i.l.s16.s32 v5  }
0x46: {  	v12 =	vld [tilespmem:s21+$0xFFFFE040];
	s19 =	sor.u32 $0x8000, s19;
	v7 =	vpack.i.b32.b16 v8, v7;
	v8 =	vpack.i.b32.b16 v11, v10;
	v10 =	vunpack.i.u.s16.s32 v3  }
0x47: {  	v15 =	vld [tilespmem:s21+$0x40];
	v3 =	vunpack.i.l.s16.s32 v3;
	v11 =	vunpack.i.u.s16.s32 v4;
	v4 =	vunpack.i.l.s16.s32 v4;
	[tilespmem:s19+$0x3870 ss:$0x81] =	vst.msk $0xffff, v7  }
0x48: {  	s31 =	sand.u32 $0x1, s15;
	v3 =	vpack.i.b32.b16 v4, v3;
	v4 =	vld [tilespmem:s21+$0xFFFFE050];
	v7 =	vunpack.i.u.s16.s32 v9;
	[tilespmem:s19+$0x3871 ss:$0x81] =	vst.msk $0xffff, v8;
	v8 =	vunpack.i.u.s16.s32 v6  }
0x49: {  	s20 =	smul.u32 $0x10200, s31;
	v5 =	vld [tilespmem:s21+$0x50];
	v6 =	vunpack.i.l.s16.s32 v6;
	[tilespmem:s19+$0x810 ss:$0x81] =	vst.msk $0xffff, v3;
	v3 =	vpack.i.b32.b16 v11, v10;
	v11 =	vunpack.i.l.s16.s32 v9  }
0x4a: {  	[tilespmem:s19+$0x811 ss:$0x81] =	vst.msk $0xffff, v3;
	v3 =	vpack.i.b32.b16 v6, v14;
	v9 =	vunpack.i.u.s16.s32 v2;
	v14 =	vunpack.i.l.s16.s32 v2;
	v2 =	vld [tilespmem:s21+$0xFFFFE060]  }
0x4b: {  	s22 =	simm.s32 $0x0;
	s20 =	sshrl.u32 s20, $0x2;
	v10 =	vunpack.i.l.s16.s32 v12;
	v13 =	vpack.i.b32.b16 v8, v13;
	v8 =	vunpack.i.u.s16.s32 v12;
	[tilespmem:s19+$0x1020 ss:$0x81] =	vst.msk $0xffff, v3;
	v3 =	vld [tilespmem:s21+$0x60]  }
0x4c: {  	s23 =	sadd.s32 $0x80, s21;
	s20 =	sor.u32 $0x8000, s20;
	v6 =	vld [tilespmem:s21+$0xFFFFE000];
	v12 =	vunpack.i.l.s16.s32 v15;
	s21 =	smov.u32 s19;
	[tilespmem:s19+$0x1021 ss:$0x81] =	vst.msk $0xffff, v13;
	v13 =	vpack.i.b32.b16 v14, v11;
	v11 =	vunpack.i.u.s16.s32 v15  }
.LBB1_3:
0x4d: {  	v14 =	vld [tilespmem:s23+$0xFFFFE070];
	[tilespmem:s19+$0x1830 ss:$0x81] =	vst.msk $0xffff, v13;
	v7 =	vpack.i.b32.b16 v9, v7;
	v9 =	vunpack.i.u.s16.s32 v4;
	v4 =	vunpack.i.l.s16.s32 v4  }
0x4e: {  	v13 =	vld [tilespmem:s23+$0x70];
	[tilespmem:s19+$0x1831 ss:$0x81] =	vst.msk $0xffff, v7;
	v7 =	vpack.i.b32.b16 v12, v10;
	v10 =	vunpack.i.u.s16.s32 v5;
	v5 =	vunpack.i.l.s16.s32 v5  }
0x4f: {  	s22 =	sadd.s32 $0x2, s22;
	v12 =	vld [tilespmem:s23+$0x0];
	[tilespmem:s19+$0x2040 ss:$0x81] =	vst.msk $0xffff, v7;
	v7 =	vpack.i.b32.b16 v11, v8;
	v8 =	vunpack.i.u.s16.s32 v2;
	v2 =	vunpack.i.l.s16.s32 v2  }
0x50: {  	p1 =	slt.u32 s22, $0x7E;
	v4 =	vpack.i.b32.b16 v5, v4;
	v5 =	vunpack.i.u.s16.s32 v3;
	v3 =	vunpack.i.l.s16.s32 v3;
	v11 =	vld [tilespmem:s23+$0xFFFFE010];
	[tilespmem:s19+$0x2041 ss:$0x81] =	vst.msk $0xffff, v7  }
0x51: {  	v15 =	vunpack.i.u.s16.s32 v6;
	v6 =	vunpack.i.l.s16.s32 v6;
	v7 =	vld [tilespmem:s23+$0x10];
	[tilespmem:s19+$0x2850 ss:$0x81] =	vst.msk $0xffff, v4;
	v4 =	vpack.i.b32.b16 v10, v9  }
0x52: {  	v1 =	vpack.i.b32.b16 v1, v6;
	v0 =	vpack.i.b32.b16 v0, v15;
	v2 =	vpack.i.b32.b16 v3, v2;
	v9 =	vld [tilespmem:s23+$0xFFFFE020];
	[tilespmem:s19+$0x2851 ss:$0x81] =	vst.msk $0xffff, v4  }
0x53: {  	v5 =	vpack.i.b32.b16 v5, v8;
	v4 =	vunpack.i.l.s16.s32 v14;
	v3 =	vld [tilespmem:s23+$0x20];
	v6 =	vunpack.i.l.s16.s32 v13;
	[tilespmem:s19+$0x0 ss:$0x81] =	vst.msk $0xffff, v1  }
0x54: {  	v10 =	vunpack.i.u.s16.s32 v14;
	v13 =	vunpack.i.u.s16.s32 v13;
	s19 =	sadd.s32 $0x2, s19;
	v8 =	vld [tilespmem:s23+$0xFFFFE030];
	v4 =	vpack.i.b32.b16 v6, v4;
	[tilespmem:s21+$0x1 ss:$0x81] =	vst.msk $0xffff, v0  }
0x55: {  	v0 =	vunpack.i.u.s16.s32 v12;
	v1 =	vunpack.i.l.s16.s32 v12;
	v6 =	vld [tilespmem:s23+$0x30];
	[tilespmem:s19+$0x3870 ss:$0x81] =	vst.msk $0xffff, v4;
	v4 =	vpack.i.b32.b16 v13, v10  }
0x56: {  	v10 =	vunpack.i.u.s16.s32 v11;
	v11 =	vunpack.i.l.s16.s32 v11;
	v12 =	vunpack.i.u.s16.s32 v7;
	v13 =	vld [tilespmem:s23+$0xFFFFE040];
	[tilespmem:s19+$0x3871 ss:$0x81] =	vst.msk $0xffff, v4  }
0x57: {  	v4 =	vunpack.i.l.s16.s32 v7;
	v14 =	vunpack.i.u.s16.s32 v9;
	v9 =	vunpack.i.l.s16.s32 v9;
	v15 =	vld [tilespmem:s23+$0x40];
	[tilespmem:s21+$0x3060 ss:$0x81] =	vst.msk $0xffff, v2  }
.Ltmp3:
0x58: {  	v2 =	vpack.i.b32.b16 v4, v11;
	v11 =	vunpack.i.u.s16.s32 v3;
	v3 =	vunpack.i.l.s16.s32 v3;
	v4 =	vld [tilespmem:s23+$0xFFFFE050];
	[tilespmem:s21+$0x3061 ss:$0x81] =	vst.msk $0xffff, v5;
	s21 =	smov.u32 s19;
	(pc) =	sbr.rel @p1 .LBB1_3-.Ltmp3, $4  }
0x59: {  	[tilespmem:s19+$0x810 ss:$0x81] =	vst.msk $0xffff, v2;
	v2 =	vpack.i.b32.b16 v12, v10;
	v7 =	vunpack.i.u.s16.s32 v8;
	v12 =	vunpack.i.l.s16.s32 v8;
	v5 =	vld [tilespmem:s23+$0x50]  }
0x5a: {  	v3 =	vpack.i.b32.b16 v3, v9;
	[tilespmem:s19+$0x811 ss:$0x81] =	vst.msk $0xffff, v2;
	v9 =	vunpack.i.u.s16.s32 v6;
	v16 =	vunpack.i.l.s16.s32 v6;
	v2 =	vld [tilespmem:s23+$0xFFFFE060]  }
0x5b: {  	v11 =	vpack.i.b32.b16 v11, v14;
	[tilespmem:s19+$0x1020 ss:$0x81] =	vst.msk $0xffff, v3;
	v8 =	vunpack.i.u.s16.s32 v13;
	v10 =	vunpack.i.l.s16.s32 v13;
	v3 =	vld [tilespmem:s23+$0x60]  }
0x5c: {  	v13 =	vpack.i.b32.b16 v16, v12;
	v6 =	vld [tilespmem:s23+$0xFFFFE000];
	[tilespmem:s19+$0x1021 ss:$0x81] =	vst.msk $0xffff, v11;
	v11 =	vunpack.i.u.s16.s32 v15;
	v12 =	vunpack.i.l.s16.s32 v15;
	s23 =	sadd.s32 $0x80, s23  }
.Ltmp4:
0x5d: {  	_ = 	snop;
	(pc) =	sbr.rel .LBB1_4-.Ltmp4, $1  }
0x5e: {  	_ =	sdelay $0x3  }
.LBB1_6:
0x5f: {  	_ =	sfence.sel $0x180000  }
0x60: {  	s1 =	simm.s32 $0x1;
	[bflag:$0x0] =	sbarrier.arrive $0xFFFF  }
0x61: {  	s31 =	simm.s32 $0x2;
	[sflag:s1] =	ssyncpa.u1 $0x1  }
0x62: {  	[sflag:s31] =	ssyncpa.u1 $0x1  }
0x63: {  	p0 =	sne.s32 s0, $0x0;
	_ =	strace $0x90000047  }
0x64: {  	s0 =	sadd.s32 @!p0 $0x100000, s3;
	[bflag:$0x2] =	sbarrier.arrive $0xFFFF  }
0x65: {  	[sflag:s0] =	ssyncadd.tile.s32 @!p0 $0x1;
	_ =	shalt  }
.Lfunc_end1:
_tile_overlayer_lowered:
.L_overlay_start_2:
0x66: {  	(tag) =	ssettag $0x2  }
0x67: {  	s0 =	rddreg [dreg:$0x0];
	s2 =	stileid.u32  }
0x68: {  	s1 =	rddreg [dreg:$0x1];
	p0 =	sne.s32 s2, $0x0  }
0x69: {  	s3 =	rddreg [dreg:$0x2];
	[bflag:$0x3] =	sbarrier.arrive $0xFFFF;
	s2 =	simm.s32 @!p0 $0x1C01  }
0x6a: {  	[timem:s3], [sflag:s2] =	dma.local @!p0 [hbm:s0], s1  }
0x6b: {  	s0 =	simm.s32 @!p0 $0x1  }
0x6c: {  	_ =	swait.ge @!p0 [sflag:s0], s1  }
0x6d: {  	s1 =	ssub.s32 @!p0 $0x0, s1;
	[sflag:s0] =	ssyncset.done @!p0 $0x0  }
0x6e: {  	[sflag:s0] =	ssyncadd.s32 @!p0 s1  }
0x6f: {  	[bflag:$0x3] =	sbarrier.arrive $0xFFFF  }
0x70: {  	_ =	shalt  }

</sc_bundles>
